<compile_context>
chip_gen: v7x
topology: tpu7x:2x2x1
jax: 0.10.2.dev20260603
libtpu: 0.0.44.dev20260713+nightly
codegen_flags: <defaults>
</compile_context>

<pallas_src>
import functools
import math

import jax
import jax.numpy as jnp
from jax import lax
from jax.experimental import pallas as pl
from jax.experimental.pallas import tpu as pltpu
from jax.experimental.pallas import tpu_sc as plsc

D_MODEL = 64
D_PAD = 128
VOCAB = 1000000
B_TOTAL = 4096 * 200
NC, NS = 2, 16
NW = NC * NS
ROWS_PER_W = B_TOTAL // NW
SUB = 1
CHUNK = SUB * 128
N_CHUNKS = ROWS_PER_W // CHUNK
NBUF = 2
SCALE = math.sqrt(D_MODEL)

_mesh = plsc.VectorSubcoreMesh(
    core_axis_name="c", subcore_axis_name="s", num_cores=NC, num_subcores=NS
)


@functools.partial(
    pl.kernel,
    out_type=jax.ShapeDtypeStruct((B_TOTAL, D_MODEL), jnp.float32),
    mesh=_mesh,
    scratch_types=[
        pltpu.VMEM((NBUF, SUB, 128), jnp.int32),
        pltpu.VMEM((NBUF, CHUNK, D_PAD), jnp.float32),
        pltpu.VMEM((NBUF, CHUNK, D_MODEL), jnp.float32),
        pltpu.SemaphoreType.DMA,
        pltpu.SemaphoreType.DMA,
        pltpu.SemaphoreType.DMA,
        pltpu.SemaphoreType.DMA,
        pltpu.SemaphoreType.DMA,
        pltpu.SemaphoreType.DMA,
    ],
    compiler_params=pltpu.CompilerParams(use_tc_tiling_on_sc=True),
)
def _embed_gather(lut_hbm, idx_hbm, out_hbm, idx_v, rows_v, outs_v,
                  si0, si1, sg0, sg1, ss0, ss1):
    si = (si0, si1)
    sg = (sg0, sg1)
    ss = (ss0, ss1)
    wid = lax.axis_index("s") * NC + lax.axis_index("c")
    irow0 = wid * (ROWS_PER_W // 128)
    row0 = wid * ROWS_PER_W

    def idx_start(g, b):
        pltpu.async_copy(
            idx_hbm.at[pl.ds(irow0 + g * SUB, SUB)], idx_v.at[b], si[b])

    def idx_wait(b):
        pltpu.make_async_copy(
            idx_hbm.at[pl.ds(irow0, SUB)], idx_v.at[b], si[b]).wait()

    def gat_start(b):
        for j in range(SUB):
            pltpu.async_copy(
                lut_hbm.at[idx_v.at[b, j]],
                rows_v.at[b, pl.ds(j * 128, 128)], sg[b])

    def gat_wait(b):
        for j in range(SUB):
            pltpu.make_async_copy(
                lut_hbm.at[idx_v.at[b, j]],
                rows_v.at[b, pl.ds(j * 128, 128)], sg[b]).wait()

    def store_start(g, b):
        pltpu.async_copy(
            outs_v.at[b], out_hbm.at[pl.ds(row0 + g * CHUNK, CHUNK)], ss[b])

    def store_wait(b):
        pltpu.make_async_copy(
            outs_v.at[b], out_hbm.at[pl.ds(row0, CHUNK)], ss[b]).wait()

    def scale_buf(b):
        rv = rows_v.at[b]
        ov = outs_v.at[b]

        def scale_blk(k, c):
            base = k * 4
            for u in range(4):
                for j in range(D_MODEL // 16):
                    sl = pl.ds(j * 16, 16)
                    ov[base + u, sl] = rv[base + u, sl] * SCALE
            return c

        lax.fori_loop(0, CHUNK // 4, scale_blk, 0)

    idx_start(0, 0)
    idx_start(1, 1)
    idx_wait(0)
    gat_start(0)

    def step(it, carry):
        for b in range(NBUF):
            g = it * NBUF + b
            o = b ^ 1
            gat_wait(b)
            pl.when(g < N_CHUNKS - NBUF)(lambda: idx_start(g + NBUF, b))
            pl.when(g >= 1)(lambda: store_wait(o))
            def fire_next():
                idx_wait(o)
                gat_start(o)
            pl.when(g < N_CHUNKS - 1)(fire_next)
            scale_buf(b)
            store_start(g, b)
        return carry

    lax.fori_loop(0, N_CHUNKS // NBUF, step, 0)

    store_wait((N_CHUNKS - 1) % NBUF)


def kernel(x, lut):
    lut_p = jnp.pad(lut, ((0, 0), (0, D_PAD - D_MODEL)))
    idx2 = x.reshape(B_TOTAL // 128, 128).astype(jnp.int32)
    out = _embed_gather(lut_p, idx2)
    return out.reshape(x.shape[0], x.shape[1], D_MODEL)

# --- scband reference (transcript-rebuilt; emitter-appended) ---
"""Pipeline reference for scband-embeddings-44281112821937 (READ-ONLY COPY).

The authoritative reference and input builder live on the scoring server;
editing this copy changes nothing except your own understanding.
"""

import jax, jax.numpy as jnp
import numpy as np
import math

D_MODEL = 64
VOCAB = 1000000

def setup_inputs(seed: int = 0) -> dict:
    key = jax.random.key(seed)
    k1, k2 = jax.random.split(key)
    x = jax.random.randint(k1, (4096, 200), 0, VOCAB, dtype=jnp.int64 if jax.config.jax_enable_x64 else jnp.int32)
    lut = jax.random.normal(k2, (VOCAB, D_MODEL), dtype=jnp.float32) * 0.02
    return {"x": x, "lut": lut}

def reference(x, lut):
    # Embedding lookup followed by sqrt(d_model) scaling (Transformer-style)
    emb = jnp.take(lut, x, axis=0)
    return emb * math.sqrt(D_MODEL)

if __name__ == "__main__":
    import jax
    _d = setup_inputs()
    print(jax.jit(kernel)(*tuple(_d.values())))

</pallas_src>

<mosaic_0001>
#map = affine_map<(d0, d1) -> (0, 0)>
module attributes {stable_mosaic.version = 14 : i64} {
  func.func @_embed_gather(%arg0: i32, %arg1: i32, %arg2: memref<1000000x128xf32, #tpu.memory_space<hbm>>, %arg3: memref<6400x128xi32, #tpu.memory_space<hbm>>, %arg4: memref<819200x64xf32, #tpu.memory_space<hbm>>, %arg5: memref<2x1x128xi32, #tpu.memory_space<vmem>>, %arg6: memref<2x128x128xf32, #tpu.memory_space<vmem>>, %arg7: memref<2x128x64xf32, #tpu.memory_space<vmem>>, %arg8: memref<!tpu.dma_semaphore, #tpu.memory_space<semaphore_mem>>, %arg9: memref<!tpu.dma_semaphore, #tpu.memory_space<semaphore_mem>>, %arg10: memref<!tpu.dma_semaphore, #tpu.memory_space<semaphore_mem>>, %arg11: memref<!tpu.dma_semaphore, #tpu.memory_space<semaphore_mem>>, %arg12: memref<!tpu.dma_semaphore, #tpu.memory_space<semaphore_mem>>, %arg13: memref<!tpu.dma_semaphore, #tpu.memory_space<semaphore_mem>>) attributes {dimension_semantics = [#tpu.dimension_semantics<core_parallel>, #tpu.dimension_semantics<subcore_parallel>], iteration_bounds = array<i64: 2, 16>, scalar_prefetch = 0 : i64, scratch_operands = 9 : i64, tpu.core_type = #tpu.core_type<sc_vector_subcore>, window_params = [{transform_indices = #map}, {transform_indices = #map}, {transform_indices = #map}]} {
    %mul3A = arith.constant 2 : i32
    %mul3A_0 = arith.muli %arg1, %mul3A : i32
    %add3A = arith.addi %mul3A_0, %arg0 : i32
    %mul3A_1 = arith.constant 200 : i32
    %mul3A_2 = arith.muli %add3A, %mul3A_1 : i32
    %mul3A_3 = arith.constant 25600 : i32
    %mul3A_4 = arith.muli %add3A, %mul3A_3 : i32
    %add3A_5 = arith.constant 0 : i32
    %add3A_6 = arith.addi %mul3A_2, %add3A_5 : i32
    %dma_start3A = arith.constant 0 : i32
    %dma_start3A_7 = arith.constant 0 : i32
    %dma_start3A_8 = arith.constant 0 : i32
    %dma_start3A_9 = tpu.memref_slice %arg5[%dma_start3A, %dma_start3A_7, %dma_start3A_8] : memref<2x1x128xi32, #tpu.memory_space<vmem>> -> memref<1x1x128xi32, #tpu.memory_space<vmem>>
    %dma_start3A_10 = tpu.memref_squeeze %dma_start3A_9 : memref<1x1x128xi32, #tpu.memory_space<vmem>> -> memref<1x128xi32, #tpu.memory_space<vmem>>
    %dma_start3A_11 = arith.constant 0 : i32
    %dma_start3A_12 = tpu.memref_slice %arg3[%add3A_6, %dma_start3A_11] : memref<6400x128xi32, #tpu.memory_space<hbm>> -> memref<1x128xi32, #tpu.memory_space<hbm>>
    %dma_start3A_13 = arith.constant 0 : i32
    %dma_start3A_14 = arith.constant 0 : i32
    %dma_start3A_15 = tpu.memref_slice %arg5[%dma_start3A, %dma_start3A_13, %dma_start3A_14] : memref<2x1x128xi32, #tpu.memory_space<vmem>> -> memref<1x1x128xi32, #tpu.memory_space<vmem>>
    %dma_start3A_16 = tpu.memref_squeeze %dma_start3A_15 : memref<1x1x128xi32, #tpu.memory_space<vmem>> -> memref<1x128xi32, #tpu.memory_space<vmem>>
    %dma_start3A_17 = arith.constant 0 : i32
    %dma_start3A_18 = tpu.memref_slice %arg3[%add3A_6, %dma_start3A_17] : memref<6400x128xi32, #tpu.memory_space<hbm>> -> memref<1x128xi32, #tpu.memory_space<hbm>>
    tpu.enqueue_dma source(%dma_start3A_18 : memref<1x128xi32, #tpu.memory_space<hbm>>) target(%dma_start3A_16 : memref<1x128xi32, #tpu.memory_space<vmem>>) target_semaphore(%arg8 : memref<!tpu.dma_semaphore, #tpu.memory_space<semaphore_mem>>)
    %add3A_19 = arith.constant 1 : i32
    %add3A_20 = arith.addi %mul3A_2, %add3A_19 : i32
    %dma_start3A_21 = arith.constant 1 : i32
    %dma_start3A_22 = arith.constant 0 : i32
    %dma_start3A_23 = arith.constant 0 : i32
    %dma_start3A_24 = tpu.memref_slice %arg5[%dma_start3A_21, %dma_start3A_22, %dma_start3A_23] : memref<2x1x128xi32, #tpu.memory_space<vmem>> -> memref<1x1x128xi32, #tpu.memory_space<vmem>>
    %dma_start3A_25 = tpu.memref_squeeze %dma_start3A_24 : memref<1x1x128xi32, #tpu.memory_space<vmem>> -> memref<1x128xi32, #tpu.memory_space<vmem>>
    %dma_start3A_26 = arith.constant 0 : i32
    %dma_start3A_27 = tpu.memref_slice %arg3[%add3A_20, %dma_start3A_26] : memref<6400x128xi32, #tpu.memory_space<hbm>> -> memref<1x128xi32, #tpu.memory_space<hbm>>
    %dma_start3A_28 = arith.constant 0 : i32
    %dma_start3A_29 = arith.constant 0 : i32
    %dma_start3A_30 = tpu.memref_slice %arg5[%dma_start3A_21, %dma_start3A_28, %dma_start3A_29] : memref<2x1x128xi32, #tpu.memory_space<vmem>> -> memref<1x1x128xi32, #tpu.memory_space<vmem>>
    %dma_start3A_31 = tpu.memref_squeeze %dma_start3A_30 : memref<1x1x128xi32, #tpu.memory_space<vmem>> -> memref<1x128xi32, #tpu.memory_space<vmem>>
    %dma_start3A_32 = arith.constant 0 : i32
    %dma_start3A_33 = tpu.memref_slice %arg3[%add3A_20, %dma_start3A_32] : memref<6400x128xi32, #tpu.memory_space<hbm>> -> memref<1x128xi32, #tpu.memory_space<hbm>>
    tpu.enqueue_dma source(%dma_start3A_33 : memref<1x128xi32, #tpu.memory_space<hbm>>) target(%dma_start3A_31 : memref<1x128xi32, #tpu.memory_space<vmem>>) target_semaphore(%arg9 : memref<!tpu.dma_semaphore, #tpu.memory_space<semaphore_mem>>)
    %dma_wait3A = arith.constant 0 : i32
    %dma_wait3A_34 = arith.constant 0 : i32
    %dma_wait3A_35 = arith.constant 0 : i32
    %dma_wait3A_36 = tpu.memref_slice %arg5[%dma_wait3A, %dma_wait3A_34, %dma_wait3A_35] : memref<2x1x128xi32, #tpu.memory_space<vmem>> -> memref<1x1x128xi32, #tpu.memory_space<vmem>>
    %dma_wait3A_37 = tpu.memref_squeeze %dma_wait3A_36 : memref<1x1x128xi32, #tpu.memory_space<vmem>> -> memref<1x128xi32, #tpu.memory_space<vmem>>
    %dma_wait3A_38 = arith.constant 0 : i32
    %dma_wait3A_39 = tpu.memref_slice %arg3[%mul3A_2, %dma_wait3A_38] : memref<6400x128xi32, #tpu.memory_space<hbm>> -> memref<1x128xi32, #tpu.memory_space<hbm>>
    %dma_wait3A_40 = arith.constant 0 : i32
    %dma_wait3A_41 = arith.constant 0 : i32
    %dma_wait3A_42 = tpu.memref_slice %arg5[%dma_wait3A, %dma_wait3A_40, %dma_wait3A_41] : memref<2x1x128xi32, #tpu.memory_space<vmem>> -> memref<1x1x128xi32, #tpu.memory_space<vmem>>
    %dma_wait3A_43 = tpu.memref_squeeze %dma_wait3A_42 : memref<1x1x128xi32, #tpu.memory_space<vmem>> -> memref<1x128xi32, #tpu.memory_space<vmem>>
    %dma_wait3A_44 = arith.constant 0 : i32
    %dma_wait3A_45 = tpu.memref_slice %arg3[%mul3A_2, %dma_wait3A_44] : memref<6400x128xi32, #tpu.memory_space<hbm>> -> memref<1x128xi32, #tpu.memory_space<hbm>>
    tpu.wait_dma2 semaphore(%arg8 : memref<!tpu.dma_semaphore, #tpu.memory_space<semaphore_mem>>) src(%dma_wait3A_45 : memref<1x128xi32, #tpu.memory_space<hbm>>) dst(%dma_wait3A_43 : memref<1x128xi32, #tpu.memory_space<vmem>>)
    %dma_start3A_46 = arith.constant 0 : i32
    %dma_start3A_47 = arith.constant 0 : i32
    %dma_start3A_48 = arith.constant 0 : i32
    %dma_start3A_49 = arith.constant 0 : i32
    %dma_start3A_50 = arith.constant 0 : i32
    %dma_start3A_51 = tpu.memref_slice %arg6[%dma_start3A_48, %dma_start3A_49, %dma_start3A_50] : memref<2x128x128xf32, #tpu.memory_space<vmem>> -> memref<1x128x128xf32, #tpu.memory_space<vmem>>
    %dma_start3A_52 = tpu.memref_squeeze %dma_start3A_51 : memref<1x128x128xf32, #tpu.memory_space<vmem>> -> memref<128x128xf32, #tpu.memory_space<vmem>>
    %dma_start3A_53 = arith.constant 0 : i32
    %dma_start3A_54 = tpu.memref_slice %arg5[%dma_start3A_46, %dma_start3A_47, %dma_start3A_53] : memref<2x1x128xi32, #tpu.memory_space<vmem>> -> memref<1x1x128xi32, #tpu.memory_space<vmem>>
    %dma_start3A_55 = tpu.memref_squeeze %dma_start3A_54 : memref<1x1x128xi32, #tpu.memory_space<vmem>> -> memref<128xi32, #tpu.memory_space<vmem>>
    %dma_start3A_56 = arith.constant 0 : i32
    %dma_start3A_57 = arith.constant 0 : i32
    %dma_start3A_58 = tpu.memref_slice %arg2[%dma_start3A_56, %dma_start3A_57] : memref<1000000x128xf32, #tpu.memory_space<hbm>> -> memref<1000000x128xf32, #tpu.memory_space<hbm>>
    tpu.enqueue_indirect_dma source(%dma_start3A_58 : memref<1000000x128xf32, #tpu.memory_space<hbm>>) target(%dma_start3A_52 : memref<128x128xf32, #tpu.memory_space<vmem>>) offsets(%dma_start3A_55 : memref<128xi32, #tpu.memory_space<vmem>>) semaphore(%arg10 : memref<!tpu.dma_semaphore, #tpu.memory_space<semaphore_mem>>)
    %scan3A = arith.constant 0 : i32
    %scan3A_59 = arith.constant 0 : i32
    %scan3A_60 = arith.constant 100 : i32
    %scan3A_61 = arith.addi %scan3A_59, %scan3A_60 : i32
    %scan3A_62 = arith.constant 1 : i32
    scf.for %scan3A_77 = %scan3A_59 to %scan3A_61 step %scan3A_62  : i32 {
      %mul3A_78 = arith.constant 2 : i32
      %mul3A_79 = arith.muli %scan3A_77, %mul3A_78 : i32
      %add3A_80 = arith.constant 0 : i32
      %add3A_81 = arith.addi %mul3A_79, %add3A_80 : i32
      %dma_wait3A_82 = arith.constant 0 : i32
      %dma_wait3A_83 = arith.constant 0 : i32
      %dma_wait3A_84 = arith.constant 0 : i32
      %dma_wait3A_85 = arith.constant 0 : i32
      %dma_wait3A_86 = arith.constant 0 : i32
      %dma_wait3A_87 = tpu.memref_slice %arg6[%dma_wait3A_84, %dma_wait3A_85, %dma_wait3A_86] : memref<2x128x128xf32, #tpu.memory_space<vmem>> -> memref<1x128x128xf32, #tpu.memory_space<vmem>>
      %dma_wait3A_88 = tpu.memref_squeeze %dma_wait3A_87 : memref<1x128x128xf32, #tpu.memory_space<vmem>> -> memref<128x128xf32, #tpu.memory_space<vmem>>
      %dma_wait3A_89 = arith.constant 0 : i32
      %dma_wait3A_90 = tpu.memref_slice %arg5[%dma_wait3A_82, %dma_wait3A_83, %dma_wait3A_89] : memref<2x1x128xi32, #tpu.memory_space<vmem>> -> memref<1x1x128xi32, #tpu.memory_space<vmem>>
      %dma_wait3A_91 = tpu.memref_squeeze %dma_wait3A_90 : memref<1x1x128xi32, #tpu.memory_space<vmem>> -> memref<128xi32, #tpu.memory_space<vmem>>
      %dma_wait3A_92 = arith.constant 0 : i32
      %dma_wait3A_93 = arith.constant 0 : i32
      %dma_wait3A_94 = tpu.memref_slice %arg2[%dma_wait3A_92, %dma_wait3A_93] : memref<1000000x128xf32, #tpu.memory_space<hbm>> -> memref<1000000x128xf32, #tpu.memory_space<hbm>>
      tpu.wait_indirect_dma semaphore(%arg10 : memref<!tpu.dma_semaphore, #tpu.memory_space<semaphore_mem>>) src(%dma_wait3A_94 : memref<1000000x128xf32, #tpu.memory_space<hbm>>) dst(%dma_wait3A_88 : memref<128x128xf32, #tpu.memory_space<vmem>>)
      %lt3A = arith.constant 198 : i32
      %lt3A_95 = arith.cmpi slt, %add3A_81, %lt3A : i32
      %convert_element_type3A = arith.extui %lt3A_95 : i1 to i32
      %cond3A = arith.constant 0 : i32
      %cond3A_96 = arith.cmpi ne, %convert_element_type3A, %cond3A : i32
      scf.if %cond3A_96 {
        %add3A_186 = arith.constant 2 : i32
        %add3A_187 = arith.addi %add3A_81, %add3A_186 : i32
        %mul3A_188 = arith.constant 1 : i32
        %mul3A_189 = arith.muli %add3A_187, %mul3A_188 : i32
        %add3A_190 = arith.addi %mul3A_2, %mul3A_189 : i32
        %dma_start3A_191 = arith.constant 0 : i32
        %dma_start3A_192 = arith.constant 0 : i32
        %dma_start3A_193 = arith.constant 0 : i32
        %dma_start3A_194 = tpu.memref_slice %arg5[%dma_start3A_191, %dma_start3A_192, %dma_start3A_193] : memref<2x1x128xi32, #tpu.memory_space<vmem>> -> memref<1x1x128xi32, #tpu.memory_space<vmem>>
        %dma_start3A_195 = tpu.memref_squeeze %dma_start3A_194 : memref<1x1x128xi32, #tpu.memory_space<vmem>> -> memref<1x128xi32, #tpu.memory_space<vmem>>
        %dma_start3A_196 = arith.constant 0 : i32
        %dma_start3A_197 = tpu.memref_slice %arg3[%add3A_190, %dma_start3A_196] : memref<6400x128xi32, #tpu.memory_space<hbm>> -> memref<1x128xi32, #tpu.memory_space<hbm>>
        %dma_start3A_198 = arith.constant 0 : i32
        %dma_start3A_199 = arith.constant 0 : i32
        %dma_start3A_200 = tpu.memref_slice %arg5[%dma_start3A_191, %dma_start3A_198, %dma_start3A_199] : memref<2x1x128xi32, #tpu.memory_space<vmem>> -> memref<1x1x128xi32, #tpu.memory_space<vmem>>
        %dma_start3A_201 = tpu.memref_squeeze %dma_start3A_200 : memref<1x1x128xi32, #tpu.memory_space<vmem>> -> memref<1x128xi32, #tpu.memory_space<vmem>>
        %dma_start3A_202 = arith.constant 0 : i32
        %dma_start3A_203 = tpu.memref_slice %arg3[%add3A_190, %dma_start3A_202] : memref<6400x128xi32, #tpu.memory_space<hbm>> -> memref<1x128xi32, #tpu.memory_space<hbm>>
        tpu.enqueue_dma source(%dma_start3A_203 : memref<1x128xi32, #tpu.memory_space<hbm>>) target(%dma_start3A_201 : memref<1x128xi32, #tpu.memory_space<vmem>>) target_semaphore(%arg8 : memref<!tpu.dma_semaphore, #tpu.memory_space<semaphore_mem>>)
      } else {
      }
      %ge3A = arith.constant 1 : i32
      %ge3A_97 = arith.cmpi sge, %add3A_81, %ge3A : i32
      %convert_element_type3A_98 = arith.extui %ge3A_97 : i1 to i32
      %cond3A_99 = arith.constant 0 : i32
      %cond3A_100 = arith.cmpi ne, %convert_element_type3A_98, %cond3A_99 : i32
      scf.if %cond3A_100 {
        %dma_wait3A_186 = arith.constant 1 : i32
        %dma_wait3A_187 = arith.constant 0 : i32
        %dma_wait3A_188 = arith.constant 0 : i32
        %dma_wait3A_189 = tpu.memref_slice %arg7[%dma_wait3A_186, %dma_wait3A_187, %dma_wait3A_188] : memref<2x128x64xf32, #tpu.memory_space<vmem>> -> memref<1x128x64xf32, #tpu.memory_space<vmem>>
        %dma_wait3A_190 = tpu.memref_squeeze %dma_wait3A_189 : memref<1x128x64xf32, #tpu.memory_space<vmem>> -> memref<128x64xf32, #tpu.memory_space<vmem>>
        %dma_wait3A_191 = arith.constant 0 : i32
        %dma_wait3A_192 = tpu.memref_slice %arg4[%mul3A_4, %dma_wait3A_191] : memref<819200x64xf32, #tpu.memory_space<hbm>> -> memref<128x64xf32, #tpu.memory_space<hbm>>
        %dma_wait3A_193 = arith.constant 0 : i32
        %dma_wait3A_194 = tpu.memref_slice %arg4[%mul3A_4, %dma_wait3A_193] : memref<819200x64xf32, #tpu.memory_space<hbm>> -> memref<128x64xf32, #tpu.memory_space<hbm>>
        %dma_wait3A_195 = arith.constant 0 : i32
        %dma_wait3A_196 = arith.constant 0 : i32
        %dma_wait3A_197 = tpu.memref_slice %arg7[%dma_wait3A_186, %dma_wait3A_195, %dma_wait3A_196] : memref<2x128x64xf32, #tpu.memory_space<vmem>> -> memref<1x128x64xf32, #tpu.memory_space<vmem>>
        %dma_wait3A_198 = tpu.memref_squeeze %dma_wait3A_197 : memref<1x128x64xf32, #tpu.memory_space<vmem>> -> memref<128x64xf32, #tpu.memory_space<vmem>>
        tpu.wait_dma2 semaphore(%arg13 : memref<!tpu.dma_semaphore, #tpu.memory_space<semaphore_mem>>) src(%dma_wait3A_198 : memref<128x64xf32, #tpu.memory_space<vmem>>) dst(%dma_wait3A_194 : memref<128x64xf32, #tpu.memory_space<hbm>>)
      } else {
      }
      %lt3A_101 = arith.constant 199 : i32
      %lt3A_102 = arith.cmpi slt, %add3A_81, %lt3A_101 : i32
      %convert_element_type3A_103 = arith.extui %lt3A_102 : i1 to i32
      %cond3A_104 = arith.constant 0 : i32
      %cond3A_105 = arith.cmpi ne, %convert_element_type3A_103, %cond3A_104 : i32
      scf.if %cond3A_105 {
        %dma_wait3A_186 = arith.constant 1 : i32
        %dma_wait3A_187 = arith.constant 0 : i32
        %dma_wait3A_188 = arith.constant 0 : i32
        %dma_wait3A_189 = tpu.memref_slice %arg5[%dma_wait3A_186, %dma_wait3A_187, %dma_wait3A_188] : memref<2x1x128xi32, #tpu.memory_space<vmem>> -> memref<1x1x128xi32, #tpu.memory_space<vmem>>
        %dma_wait3A_190 = tpu.memref_squeeze %dma_wait3A_189 : memref<1x1x128xi32, #tpu.memory_space<vmem>> -> memref<1x128xi32, #tpu.memory_space<vmem>>
        %dma_wait3A_191 = arith.constant 0 : i32
        %dma_wait3A_192 = tpu.memref_slice %arg3[%mul3A_2, %dma_wait3A_191] : memref<6400x128xi32, #tpu.memory_space<hbm>> -> memref<1x128xi32, #tpu.memory_space<hbm>>
        %dma_wait3A_193 = arith.constant 0 : i32
        %dma_wait3A_194 = arith.constant 0 : i32
        %dma_wait3A_195 = tpu.memref_slice %arg5[%dma_wait3A_186, %dma_wait3A_193, %dma_wait3A_194] : memref<2x1x128xi32, #tpu.memory_space<vmem>> -> memref<1x1x128xi32, #tpu.memory_space<vmem>>
        %dma_wait3A_196 = tpu.memref_squeeze %dma_wait3A_195 : memref<1x1x128xi32, #tpu.memory_space<vmem>> -> memref<1x128xi32, #tpu.memory_space<vmem>>
        %dma_wait3A_197 = arith.constant 0 : i32
        %dma_wait3A_198 = tpu.memref_slice %arg3[%mul3A_2, %dma_wait3A_197] : memref<6400x128xi32, #tpu.memory_space<hbm>> -> memref<1x128xi32, #tpu.memory_space<hbm>>
        tpu.wait_dma2 semaphore(%arg9 : memref<!tpu.dma_semaphore, #tpu.memory_space<semaphore_mem>>) src(%dma_wait3A_198 : memref<1x128xi32, #tpu.memory_space<hbm>>) dst(%dma_wait3A_196 : memref<1x128xi32, #tpu.memory_space<vmem>>)
        %dma_start3A_199 = arith.constant 1 : i32
        %dma_start3A_200 = arith.constant 0 : i32
        %dma_start3A_201 = arith.constant 1 : i32
        %dma_start3A_202 = arith.constant 0 : i32
        %dma_start3A_203 = arith.constant 0 : i32
        %dma_start3A_204 = tpu.memref_slice %arg6[%dma_start3A_201, %dma_start3A_202, %dma_start3A_203] : memref<2x128x128xf32, #tpu.memory_space<vmem>> -> memref<1x128x128xf32, #tpu.memory_space<vmem>>
        %dma_start3A_205 = tpu.memref_squeeze %dma_start3A_204 : memref<1x128x128xf32, #tpu.memory_space<vmem>> -> memref<128x128xf32, #tpu.memory_space<vmem>>
        %dma_start3A_206 = arith.constant 0 : i32
        %dma_start3A_207 = tpu.memref_slice %arg5[%dma_start3A_199, %dma_start3A_200, %dma_start3A_206] : memref<2x1x128xi32, #tpu.memory_space<vmem>> -> memref<1x1x128xi32, #tpu.memory_space<vmem>>
        %dma_start3A_208 = tpu.memref_squeeze %dma_start3A_207 : memref<1x1x128xi32, #tpu.memory_space<vmem>> -> memref<128xi32, #tpu.memory_space<vmem>>
        %dma_start3A_209 = arith.constant 0 : i32
        %dma_start3A_210 = arith.constant 0 : i32
        %dma_start3A_211 = tpu.memref_slice %arg2[%dma_start3A_209, %dma_start3A_210] : memref<1000000x128xf32, #tpu.memory_space<hbm>> -> memref<1000000x128xf32, #tpu.memory_space<hbm>>
        tpu.enqueue_indirect_dma source(%dma_start3A_211 : memref<1000000x128xf32, #tpu.memory_space<hbm>>) target(%dma_start3A_205 : memref<128x128xf32, #tpu.memory_space<vmem>>) offsets(%dma_start3A_208 : memref<128xi32, #tpu.memory_space<vmem>>) semaphore(%arg11 : memref<!tpu.dma_semaphore, #tpu.memory_space<semaphore_mem>>)
      } else {
      }
      %scan3A_106 = arith.constant 0 : i32
      %scan3A_107 = arith.constant 0 : i32
      %scan3A_108 = arith.constant 0 : i32
      %scan3A_109 = arith.constant 0 : i32
      %scan3A_110 = arith.constant 32 : i32
      %scan3A_111 = arith.addi %scan3A_109, %scan3A_110 : i32
      %scan3A_112 = arith.constant 1 : i32
      scf.for %scan3A_186 = %scan3A_109 to %scan3A_111 step %scan3A_112  : i32 {
        %mul3A_187 = arith.constant 4 : i32
        %mul3A_188 = arith.muli %scan3A_186, %mul3A_187 : i32
        %add3A_189 = arith.constant 0 : i32
        %add3A_190 = arith.addi %mul3A_188, %add3A_189 : i32
        %get3A = arith.constant 0 : i32
        %get3A_191 = arith.constant 0 : i32
        %get3A_192 = tpu.memref_slice %arg6[%scan3A_107, %get3A, %get3A_191] : memref<2x128x128xf32, #tpu.memory_space<vmem>> -> memref<1x128x128xf32, #tpu.memory_space<vmem>>
        %get3A_193 = tpu.memref_squeeze %get3A_192 : memref<1x128x128xf32, #tpu.memory_space<vmem>> -> memref<128x128xf32, #tpu.memory_space<vmem>>
        %get3A_194 = arith.index_cast %add3A_190 : i32 to index
        %get3A_195 = arith.constant 0 : index
        %get3A_196 = tpu.vector_load %get3A_193[%get3A_194, %get3A_195] {strides = array<i32>} : memref<128x128xf32, #tpu.memory_space<vmem>>, vector<1x16xf32>,
        %get3A_197 = vector.shape_cast %get3A_196 : vector<1x16xf32> to vector<16xf32>
        %mul3A_198 = arith.constant 8.000000e+00 : f32
        %mul3A_199 = vector.broadcast %mul3A_198 : f32 to vector<16xf32>
        %mul3A_200 = arith.mulf %get3A_197, %mul3A_199 : vector<16xf32>
        %add3A_201 = arith.constant 0 : i32
        %add3A_202 = arith.addi %mul3A_188, %add3A_201 : i32
        %swap3A = arith.constant 0 : i32
        %swap3A_203 = arith.constant 0 : i32
        %swap3A_204 = tpu.memref_slice %arg7[%scan3A_108, %swap3A, %swap3A_203] : memref<2x128x64xf32, #tpu.memory_space<vmem>> -> memref<1x128x64xf32, #tpu.memory_space<vmem>>
        %swap3A_205 = tpu.memref_squeeze %swap3A_204 : memref<1x128x64xf32, #tpu.memory_space<vmem>> -> memref<128x64xf32, #tpu.memory_space<vmem>>
        %swap3A_206 = arith.index_cast %add3A_202 : i32 to index
        %swap3A_207 = arith.constant 0 : index
        %swap3A_208 = tpu.vector_load %swap3A_205[%swap3A_206, %swap3A_207] {strides = array<i32>} : memref<128x64xf32, #tpu.memory_space<vmem>>, vector<1x16xf32>,
        %swap3A_209 = vector.shape_cast %swap3A_208 : vector<1x16xf32> to vector<16xf32>
        %swap3A_210 = vector.shape_cast %mul3A_200 : vector<16xf32> to vector<1x16xf32>
        tpu.vector_store %swap3A_205[%swap3A_206, %swap3A_207], %swap3A_210 {strides = array<i32>} : memref<128x64xf32, #tpu.memory_space<vmem>>, vector<1x16xf32>,
        %add3A_211 = arith.constant 0 : i32
        %add3A_212 = arith.addi %mul3A_188, %add3A_211 : i32
        %get3A_213 = arith.constant 0 : i32
        %get3A_214 = arith.constant 0 : i32
        %get3A_215 = tpu.memref_slice %arg6[%scan3A_107, %get3A_213, %get3A_214] : memref<2x128x128xf32, #tpu.memory_space<vmem>> -> memref<1x128x128xf32, #tpu.memory_space<vmem>>
        %get3A_216 = tpu.memref_squeeze %get3A_215 : memref<1x128x128xf32, #tpu.memory_space<vmem>> -> memref<128x128xf32, #tpu.memory_space<vmem>>
        %get3A_217 = arith.index_cast %add3A_212 : i32 to index
        %get3A_218 = arith.constant 16 : index
        %get3A_219 = tpu.vector_load %get3A_216[%get3A_217, %get3A_218] {strides = array<i32>} : memref<128x128xf32, #tpu.memory_space<vmem>>, vector<1x16xf32>,
        %get3A_220 = vector.shape_cast %get3A_219 : vector<1x16xf32> to vector<16xf32>
        %mul3A_221 = arith.constant 8.000000e+00 : f32
        %mul3A_222 = vector.broadcast %mul3A_221 : f32 to vector<16xf32>
        %mul3A_223 = arith.mulf %get3A_220, %mul3A_222 : vector<16xf32>
        %add3A_224 = arith.constant 0 : i32
        %add3A_225 = arith.addi %mul3A_188, %add3A_224 : i32
        %swap3A_226 = arith.constant 0 : i32
        %swap3A_227 = arith.constant 0 : i32
        %swap3A_228 = tpu.memref_slice %arg7[%scan3A_108, %swap3A_226, %swap3A_227] : memref<2x128x64xf32, #tpu.memory_space<vmem>> -> memref<1x128x64xf32, #tpu.memory_space<vmem>>
        %swap3A_229 = tpu.memref_squeeze %swap3A_228 : memref<1x128x64xf32, #tpu.memory_space<vmem>> -> memref<128x64xf32, #tpu.memory_space<vmem>>
        %swap3A_230 = arith.index_cast %add3A_225 : i32 to index
        %swap3A_231 = arith.constant 16 : index
        %swap3A_232 = tpu.vector_load %swap3A_229[%swap3A_230, %swap3A_231] {strides = array<i32>} : memref<128x64xf32, #tpu.memory_space<vmem>>, vector<1x16xf32>,
        %swap3A_233 = vector.shape_cast %swap3A_232 : vector<1x16xf32> to vector<16xf32>
        %swap3A_234 = vector.shape_cast %mul3A_223 : vector<16xf32> to vector<1x16xf32>
        tpu.vector_store %swap3A_229[%swap3A_230, %swap3A_231], %swap3A_234 {strides = array<i32>} : memref<128x64xf32, #tpu.memory_space<vmem>>, vector<1x16xf32>,
        %add3A_235 = arith.constant 0 : i32
        %add3A_236 = arith.addi %mul3A_188, %add3A_235 : i32
        %get3A_237 = arith.constant 0 : i32
        %get3A_238 = arith.constant 0 : i32
        %get3A_239 = tpu.memref_slice %arg6[%scan3A_107, %get3A_237, %get3A_238] : memref<2x128x128xf32, #tpu.memory_space<vmem>> -> memref<1x128x128xf32, #tpu.memory_space<vmem>>
        %get3A_240 = tpu.memref_squeeze %get3A_239 : memref<1x128x128xf32, #tpu.memory_space<vmem>> -> memref<128x128xf32, #tpu.memory_space<vmem>>
        %get3A_241 = arith.index_cast %add3A_236 : i32 to index
        %get3A_242 = arith.constant 32 : index
        %get3A_243 = tpu.vector_load %get3A_240[%get3A_241, %get3A_242] {strides = array<i32>} : memref<128x128xf32, #tpu.memory_space<vmem>>, vector<1x16xf32>,
        %get3A_244 = vector.shape_cast %get3A_243 : vector<1x16xf32> to vector<16xf32>
        %mul3A_245 = arith.constant 8.000000e+00 : f32
        %mul3A_246 = vector.broadcast %mul3A_245 : f32 to vector<16xf32>
        %mul3A_247 = arith.mulf %get3A_244, %mul3A_246 : vector<16xf32>
        %add3A_248 = arith.constant 0 : i32
        %add3A_249 = arith.addi %mul3A_188, %add3A_248 : i32
        %swap3A_250 = arith.constant 0 : i32
        %swap3A_251 = arith.constant 0 : i32
        %swap3A_252 = tpu.memref_slice %arg7[%scan3A_108, %swap3A_250, %swap3A_251] : memref<2x128x64xf32, #tpu.memory_space<vmem>> -> memref<1x128x64xf32, #tpu.memory_space<vmem>>
        %swap3A_253 = tpu.memref_squeeze %swap3A_252 : memref<1x128x64xf32, #tpu.memory_space<vmem>> -> memref<128x64xf32, #tpu.memory_space<vmem>>
        %swap3A_254 = arith.index_cast %add3A_249 : i32 to index
        %swap3A_255 = arith.constant 32 : index
        %swap3A_256 = tpu.vector_load %swap3A_253[%swap3A_254, %swap3A_255] {strides = array<i32>} : memref<128x64xf32, #tpu.memory_space<vmem>>, vector<1x16xf32>,
        %swap3A_257 = vector.shape_cast %swap3A_256 : vector<1x16xf32> to vector<16xf32>
        %swap3A_258 = vector.shape_cast %mul3A_247 : vector<16xf32> to vector<1x16xf32>
        tpu.vector_store %swap3A_253[%swap3A_254, %swap3A_255], %swap3A_258 {strides = array<i32>} : memref<128x64xf32, #tpu.memory_space<vmem>>, vector<1x16xf32>,
        %add3A_259 = arith.constant 0 : i32
        %add3A_260 = arith.addi %mul3A_188, %add3A_259 : i32
        %get3A_261 = arith.constant 0 : i32
        %get3A_262 = arith.constant 0 : i32
        %get3A_263 = tpu.memref_slice %arg6[%scan3A_107, %get3A_261, %get3A_262] : memref<2x128x128xf32, #tpu.memory_space<vmem>> -> memref<1x128x128xf32, #tpu.memory_space<vmem>>
        %get3A_264 = tpu.memref_squeeze %get3A_263 : memref<1x128x128xf32, #tpu.memory_space<vmem>> -> memref<128x128xf32, #tpu.memory_space<vmem>>
        %get3A_265 = arith.index_cast %add3A_260 : i32 to index
        %get3A_266 = arith.constant 48 : index
        %get3A_267 = tpu.vector_load %get3A_264[%get3A_265, %get3A_266] {strides = array<i32>} : memref<128x128xf32, #tpu.memory_space<vmem>>, vector<1x16xf32>,
        %get3A_268 = vector.shape_cast %get3A_267 : vector<1x16xf32> to vector<16xf32>
        %mul3A_269 = arith.constant 8.000000e+00 : f32
        %mul3A_270 = vector.broadcast %mul3A_269 : f32 to vector<16xf32>
        %mul3A_271 = arith.mulf %get3A_268, %mul3A_270 : vector<16xf32>
        %add3A_272 = arith.constant 0 : i32
        %add3A_273 = arith.addi %mul3A_188, %add3A_272 : i32
        %swap3A_274 = arith.constant 0 : i32
        %swap3A_275 = arith.constant 0 : i32
        %swap3A_276 = tpu.memref_slice %arg7[%scan3A_108, %swap3A_274, %swap3A_275] : memref<2x128x64xf32, #tpu.memory_space<vmem>> -> memref<1x128x64xf32, #tpu.memory_space<vmem>>
        %swap3A_277 = tpu.memref_squeeze %swap3A_276 : memref<1x128x64xf32, #tpu.memory_space<vmem>> -> memref<128x64xf32, #tpu.memory_space<vmem>>
        %swap3A_278 = arith.index_cast %add3A_273 : i32 to index
        %swap3A_279 = arith.constant 48 : index
        %swap3A_280 = tpu.vector_load %swap3A_277[%swap3A_278, %swap3A_279] {strides = array<i32>} : memref<128x64xf32, #tpu.memory_space<vmem>>, vector<1x16xf32>,
        %swap3A_281 = vector.shape_cast %swap3A_280 : vector<1x16xf32> to vector<16xf32>
        %swap3A_282 = vector.shape_cast %mul3A_271 : vector<16xf32> to vector<1x16xf32>
        tpu.vector_store %swap3A_277[%swap3A_278, %swap3A_279], %swap3A_282 {strides = array<i32>} : memref<128x64xf32, #tpu.memory_space<vmem>>, vector<1x16xf32>,
        %add3A_283 = arith.constant 1 : i32
        %add3A_284 = arith.addi %mul3A_188, %add3A_283 : i32
        %get3A_285 = arith.constant 0 : i32
        %get3A_286 = arith.constant 0 : i32
        %get3A_287 = tpu.memref_slice %arg6[%scan3A_107, %get3A_285, %get3A_286] : memref<2x128x128xf32, #tpu.memory_space<vmem>> -> memref<1x128x128xf32, #tpu.memory_space<vmem>>
        %get3A_288 = tpu.memref_squeeze %get3A_287 : memref<1x128x128xf32, #tpu.memory_space<vmem>> -> memref<128x128xf32, #tpu.memory_space<vmem>>
        %get3A_289 = arith.index_cast %add3A_284 : i32 to index
        %get3A_290 = arith.constant 0 : index
        %get3A_291 = tpu.vector_load %get3A_288[%get3A_289, %get3A_290] {strides = array<i32>} : memref<128x128xf32, #tpu.memory_space<vmem>>, vector<1x16xf32>,
        %get3A_292 = vector.shape_cast %get3A_291 : vector<1x16xf32> to vector<16xf32>
        %mul3A_293 = arith.constant 8.000000e+00 : f32
        %mul3A_294 = vector.broadcast %mul3A_293 : f32 to vector<16xf32>
        %mul3A_295 = arith.mulf %get3A_292, %mul3A_294 : vector<16xf32>
        %add3A_296 = arith.constant 1 : i32
        %add3A_297 = arith.addi %mul3A_188, %add3A_296 : i32
        %swap3A_298 = arith.constant 0 : i32
        %swap3A_299 = arith.constant 0 : i32
        %swap3A_300 = tpu.memref_slice %arg7[%scan3A_108, %swap3A_298, %swap3A_299] : memref<2x128x64xf32, #tpu.memory_space<vmem>> -> memref<1x128x64xf32, #tpu.memory_space<vmem>>
        %swap3A_301 = tpu.memref_squeeze %swap3A_300 : memref<1x128x64xf32, #tpu.memory_space<vmem>> -> memref<128x64xf32, #tpu.memory_space<vmem>>
        %swap3A_302 = arith.index_cast %add3A_297 : i32 to index
        %swap3A_303 = arith.constant 0 : index
        %swap3A_304 = tpu.vector_load %swap3A_301[%swap3A_302, %swap3A_303] {strides = array<i32>} : memref<128x64xf32, #tpu.memory_space<vmem>>, vector<1x16xf32>,
        %swap3A_305 = vector.shape_cast %swap3A_304 : vector<1x16xf32> to vector<16xf32>
        %swap3A_306 = vector.shape_cast %mul3A_295 : vector<16xf32> to vector<1x16xf32>
        tpu.vector_store %swap3A_301[%swap3A_302, %swap3A_303], %swap3A_306 {strides = array<i32>} : memref<128x64xf32, #tpu.memory_space<vmem>>, vector<1x16xf32>,
        %add3A_307 = arith.constant 1 : i32
        %add3A_308 = arith.addi %mul3A_188, %add3A_307 : i32
        %get3A_309 = arith.constant 0 : i32
        %get3A_310 = arith.constant 0 : i32
        %get3A_311 = tpu.memref_slice %arg6[%scan3A_107, %get3A_309, %get3A_310] : memref<2x128x128xf32, #tpu.memory_space<vmem>> -> memref<1x128x128xf32, #tpu.memory_space<vmem>>
        %get3A_312 = tpu.memref_squeeze %get3A_311 : memref<1x128x128xf32, #tpu.memory_space<vmem>> -> memref<128x128xf32, #tpu.memory_space<vmem>>
        %get3A_313 = arith.index_cast %add3A_308 : i32 to index
        %get3A_314 = arith.constant 16 : index
        %get3A_315 = tpu.vector_load %get3A_312[%get3A_313, %get3A_314] {strides = array<i32>} : memref<128x128xf32, #tpu.memory_space<vmem>>, vector<1x16xf32>,
        %get3A_316 = vector.shape_cast %get3A_315 : vector<1x16xf32> to vector<16xf32>
        %mul3A_317 = arith.constant 8.000000e+00 : f32
        %mul3A_318 = vector.broadcast %mul3A_317 : f32 to vector<16xf32>
        %mul3A_319 = arith.mulf %get3A_316, %mul3A_318 : vector<16xf32>
        %add3A_320 = arith.constant 1 : i32
        %add3A_321 = arith.addi %mul3A_188, %add3A_320 : i32
        %swap3A_322 = arith.constant 0 : i32
        %swap3A_323 = arith.constant 0 : i32
        %swap3A_324 = tpu.memref_slice %arg7[%scan3A_108, %swap3A_322, %swap3A_323] : memref<2x128x64xf32, #tpu.memory_space<vmem>> -> memref<1x128x64xf32, #tpu.memory_space<vmem>>
        %swap3A_325 = tpu.memref_squeeze %swap3A_324 : memref<1x128x64xf32, #tpu.memory_space<vmem>> -> memref<128x64xf32, #tpu.memory_space<vmem>>
        %swap3A_326 = arith.index_cast %add3A_321 : i32 to index
        %swap3A_327 = arith.constant 16 : index
        %swap3A_328 = tpu.vector_load %swap3A_325[%swap3A_326, %swap3A_327] {strides = array<i32>} : memref<128x64xf32, #tpu.memory_space<vmem>>, vector<1x16xf32>,
        %swap3A_329 = vector.shape_cast %swap3A_328 : vector<1x16xf32> to vector<16xf32>
        %swap3A_330 = vector.shape_cast %mul3A_319 : vector<16xf32> to vector<1x16xf32>
        tpu.vector_store %swap3A_325[%swap3A_326, %swap3A_327], %swap3A_330 {strides = array<i32>} : memref<128x64xf32, #tpu.memory_space<vmem>>, vector<1x16xf32>,
        %add3A_331 = arith.constant 1 : i32
        %add3A_332 = arith.addi %mul3A_188, %add3A_331 : i32
        %get3A_333 = arith.constant 0 : i32
        %get3A_334 = arith.constant 0 : i32
        %get3A_335 = tpu.memref_slice %arg6[%scan3A_107, %get3A_333, %get3A_334] : memref<2x128x128xf32, #tpu.memory_space<vmem>> -> memref<1x128x128xf32, #tpu.memory_space<vmem>>
        %get3A_336 = tpu.memref_squeeze %get3A_335 : memref<1x128x128xf32, #tpu.memory_space<vmem>> -> memref<128x128xf32, #tpu.memory_space<vmem>>
        %get3A_337 = arith.index_cast %add3A_332 : i32 to index
        %get3A_338 = arith.constant 32 : index
        %get3A_339 = tpu.vector_load %get3A_336[%get3A_337, %get3A_338] {strides = array<i32>} : memref<128x128xf32, #tpu.memory_space<vmem>>, vector<1x16xf32>,
        %get3A_340 = vector.shape_cast %get3A_339 : vector<1x16xf32> to vector<16xf32>
        %mul3A_341 = arith.constant 8.000000e+00 : f32
        %mul3A_342 = vector.broadcast %mul3A_341 : f32 to vector<16xf32>
        %mul3A_343 = arith.mulf %get3A_340, %mul3A_342 : vector<16xf32>
        %add3A_344 = arith.constant 1 : i32
        %add3A_345 = arith.addi %mul3A_188, %add3A_344 : i32
        %swap3A_346 = arith.constant 0 : i32
        %swap3A_347 = arith.constant 0 : i32
        %swap3A_348 = tpu.memref_slice %arg7[%scan3A_108, %swap3A_346, %swap3A_347] : memref<2x128x64xf32, #tpu.memory_space<vmem>> -> memref<1x128x64xf32, #tpu.memory_space<vmem>>
        %swap3A_349 = tpu.memref_squeeze %swap3A_348 : memref<1x128x64xf32, #tpu.memory_space<vmem>> -> memref<128x64xf32, #tpu.memory_space<vmem>>
        %swap3A_350 = arith.index_cast %add3A_345 : i32 to index
        %swap3A_351 = arith.constant 32 : index
        %swap3A_352 = tpu.vector_load %swap3A_349[%swap3A_350, %swap3A_351] {strides = array<i32>} : memref<128x64xf32, #tpu.memory_space<vmem>>, vector<1x16xf32>,
        %swap3A_353 = vector.shape_cast %swap3A_352 : vector<1x16xf32> to vector<16xf32>
        %swap3A_354 = vector.shape_cast %mul3A_343 : vector<16xf32> to vector<1x16xf32>
        tpu.vector_store %swap3A_349[%swap3A_350, %swap3A_351], %swap3A_354 {strides = array<i32>} : memref<128x64xf32, #tpu.memory_space<vmem>>, vector<1x16xf32>,
        %add3A_355 = arith.constant 1 : i32
        %add3A_356 = arith.addi %mul3A_188, %add3A_355 : i32
        %get3A_357 = arith.constant 0 : i32
        %get3A_358 = arith.constant 0 : i32
        %get3A_359 = tpu.memref_slice %arg6[%scan3A_107, %get3A_357, %get3A_358] : memref<2x128x128xf32, #tpu.memory_space<vmem>> -> memref<1x128x128xf32, #tpu.memory_space<vmem>>
        %get3A_360 = tpu.memref_squeeze %get3A_359 : memref<1x128x128xf32, #tpu.memory_space<vmem>> -> memref<128x128xf32, #tpu.memory_space<vmem>>
        %get3A_361 = arith.index_cast %add3A_356 : i32 to index
        %get3A_362 = arith.constant 48 : index
        %get3A_363 = tpu.vector_load %get3A_360[%get3A_361, %get3A_362] {strides = array<i32>} : memref<128x128xf32, #tpu.memory_space<vmem>>, vector<1x16xf32>,
        %get3A_364 = vector.shape_cast %get3A_363 : vector<1x16xf32> to vector<16xf32>
        %mul3A_365 = arith.constant 8.000000e+00 : f32
        %mul3A_366 = vector.broadcast %mul3A_365 : f32 to vector<16xf32>
        %mul3A_367 = arith.mulf %get3A_364, %mul3A_366 : vector<16xf32>
        %add3A_368 = arith.constant 1 : i32
        %add3A_369 = arith.addi %mul3A_188, %add3A_368 : i32
        %swap3A_370 = arith.constant 0 : i32
        %swap3A_371 = arith.constant 0 : i32
        %swap3A_372 = tpu.memref_slice %arg7[%scan3A_108, %swap3A_370, %swap3A_371] : memref<2x128x64xf32, #tpu.memory_space<vmem>> -> memref<1x128x64xf32, #tpu.memory_space<vmem>>
        %swap3A_373 = tpu.memref_squeeze %swap3A_372 : memref<1x128x64xf32, #tpu.memory_space<vmem>> -> memref<128x64xf32, #tpu.memory_space<vmem>>
        %swap3A_374 = arith.index_cast %add3A_369 : i32 to index
        %swap3A_375 = arith.constant 48 : index
        %swap3A_376 = tpu.vector_load %swap3A_373[%swap3A_374, %swap3A_375] {strides = array<i32>} : memref<128x64xf32, #tpu.memory_space<vmem>>, vector<1x16xf32>,
        %swap3A_377 = vector.shape_cast %swap3A_376 : vector<1x16xf32> to vector<16xf32>
        %swap3A_378 = vector.shape_cast %mul3A_367 : vector<16xf32> to vector<1x16xf32>
        tpu.vector_store %swap3A_373[%swap3A_374, %swap3A_375], %swap3A_378 {strides = array<i32>} : memref<128x64xf32, #tpu.memory_space<vmem>>, vector<1x16xf32>,
        %add3A_379 = arith.constant 2 : i32
        %add3A_380 = arith.addi %mul3A_188, %add3A_379 : i32
        %get3A_381 = arith.constant 0 : i32
        %get3A_382 = arith.constant 0 : i32
        %get3A_383 = tpu.memref_slice %arg6[%scan3A_107, %get3A_381, %get3A_382] : memref<2x128x128xf32, #tpu.memory_space<vmem>> -> memref<1x128x128xf32, #tpu.memory_space<vmem>>
        %get3A_384 = tpu.memref_squeeze %get3A_383 : memref<1x128x128xf32, #tpu.memory_space<vmem>> -> memref<128x128xf32, #tpu.memory_space<vmem>>
        %get3A_385 = arith.index_cast %add3A_380 : i32 to index
        %get3A_386 = arith.constant 0 : index
        %get3A_387 = tpu.vector_load %get3A_384[%get3A_385, %get3A_386] {strides = array<i32>} : memref<128x128xf32, #tpu.memory_space<vmem>>, vector<1x16xf32>,
        %get3A_388 = vector.shape_cast %get3A_387 : vector<1x16xf32> to vector<16xf32>
        %mul3A_389 = arith.constant 8.000000e+00 : f32
        %mul3A_390 = vector.broadcast %mul3A_389 : f32 to vector<16xf32>
        %mul3A_391 = arith.mulf %get3A_388, %mul3A_390 : vector<16xf32>
        %add3A_392 = arith.constant 2 : i32
        %add3A_393 = arith.addi %mul3A_188, %add3A_392 : i32
        %swap3A_394 = arith.constant 0 : i32
        %swap3A_395 = arith.constant 0 : i32
        %swap3A_396 = tpu.memref_slice %arg7[%scan3A_108, %swap3A_394, %swap3A_395] : memref<2x128x64xf32, #tpu.memory_space<vmem>> -> memref<1x128x64xf32, #tpu.memory_space<vmem>>
        %swap3A_397 = tpu.memref_squeeze %swap3A_396 : memref<1x128x64xf32, #tpu.memory_space<vmem>> -> memref<128x64xf32, #tpu.memory_space<vmem>>
        %swap3A_398 = arith.index_cast %add3A_393 : i32 to index
        %swap3A_399 = arith.constant 0 : index
        %swap3A_400 = tpu.vector_load %swap3A_397[%swap3A_398, %swap3A_399] {strides = array<i32>} : memref<128x64xf32, #tpu.memory_space<vmem>>, vector<1x16xf32>,
        %swap3A_401 = vector.shape_cast %swap3A_400 : vector<1x16xf32> to vector<16xf32>
        %swap3A_402 = vector.shape_cast %mul3A_391 : vector<16xf32> to vector<1x16xf32>
        tpu.vector_store %swap3A_397[%swap3A_398, %swap3A_399], %swap3A_402 {strides = array<i32>} : memref<128x64xf32, #tpu.memory_space<vmem>>, vector<1x16xf32>,
        %add3A_403 = arith.constant 2 : i32
        %add3A_404 = arith.addi %mul3A_188, %add3A_403 : i32
        %get3A_405 = arith.constant 0 : i32
        %get3A_406 = arith.constant 0 : i32
        %get3A_407 = tpu.memref_slice %arg6[%scan3A_107, %get3A_405, %get3A_406] : memref<2x128x128xf32, #tpu.memory_space<vmem>> -> memref<1x128x128xf32, #tpu.memory_space<vmem>>
        %get3A_408 = tpu.memref_squeeze %get3A_407 : memref<1x128x128xf32, #tpu.memory_space<vmem>> -> memref<128x128xf32, #tpu.memory_space<vmem>>
        %get3A_409 = arith.index_cast %add3A_404 : i32 to index
        %get3A_410 = arith.constant 16 : index
        %get3A_411 = tpu.vector_load %get3A_408[%get3A_409, %get3A_410] {strides = array<i32>} : memref<128x128xf32, #tpu.memory_space<vmem>>, vector<1x16xf32>,
        %get3A_412 = vector.shape_cast %get3A_411 : vector<1x16xf32> to vector<16xf32>
        %mul3A_413 = arith.constant 8.000000e+00 : f32
        %mul3A_414 = vector.broadcast %mul3A_413 : f32 to vector<16xf32>
        %mul3A_415 = arith.mulf %get3A_412, %mul3A_414 : vector<16xf32>
        %add3A_416 = arith.constant 2 : i32
        %add3A_417 = arith.addi %mul3A_188, %add3A_416 : i32
        %swap3A_418 = arith.constant 0 : i32
        %swap3A_419 = arith.constant 0 : i32
        %swap3A_420 = tpu.memref_slice %arg7[%scan3A_108, %swap3A_418, %swap3A_419] : memref<2x128x64xf32, #tpu.memory_space<vmem>> -> memref<1x128x64xf32, #tpu.memory_space<vmem>>
        %swap3A_421 = tpu.memref_squeeze %swap3A_420 : memref<1x128x64xf32, #tpu.memory_space<vmem>> -> memref<128x64xf32, #tpu.memory_space<vmem>>
        %swap3A_422 = arith.index_cast %add3A_417 : i32 to index
        %swap3A_423 = arith.constant 16 : index
        %swap3A_424 = tpu.vector_load %swap3A_421[%swap3A_422, %swap3A_423] {strides = array<i32>} : memref<128x64xf32, #tpu.memory_space<vmem>>, vector<1x16xf32>,
        %swap3A_425 = vector.shape_cast %swap3A_424 : vector<1x16xf32> to vector<16xf32>
        %swap3A_426 = vector.shape_cast %mul3A_415 : vector<16xf32> to vector<1x16xf32>
        tpu.vector_store %swap3A_421[%swap3A_422, %swap3A_423], %swap3A_426 {strides = array<i32>} : memref<128x64xf32, #tpu.memory_space<vmem>>, vector<1x16xf32>,
        %add3A_427 = arith.constant 2 : i32
        %add3A_428 = arith.addi %mul3A_188, %add3A_427 : i32
        %get3A_429 = arith.constant 0 : i32
        %get3A_430 = arith.constant 0 : i32
        %get3A_431 = tpu.memref_slice %arg6[%scan3A_107, %get3A_429, %get3A_430] : memref<2x128x128xf32, #tpu.memory_space<vmem>> -> memref<1x128x128xf32, #tpu.memory_space<vmem>>
        %get3A_432 = tpu.memref_squeeze %get3A_431 : memref<1x128x128xf32, #tpu.memory_space<vmem>> -> memref<128x128xf32, #tpu.memory_space<vmem>>
        %get3A_433 = arith.index_cast %add3A_428 : i32 to index
        %get3A_434 = arith.constant 32 : index
        %get3A_435 = tpu.vector_load %get3A_432[%get3A_433, %get3A_434] {strides = array<i32>} : memref<128x128xf32, #tpu.memory_space<vmem>>, vector<1x16xf32>,
        %get3A_436 = vector.shape_cast %get3A_435 : vector<1x16xf32> to vector<16xf32>
        %mul3A_437 = arith.constant 8.000000e+00 : f32
        %mul3A_438 = vector.broadcast %mul3A_437 : f32 to vector<16xf32>
        %mul3A_439 = arith.mulf %get3A_436, %mul3A_438 : vector<16xf32>
        %add3A_440 = arith.constant 2 : i32
        %add3A_441 = arith.addi %mul3A_188, %add3A_440 : i32
        %swap3A_442 = arith.constant 0 : i32
        %swap3A_443 = arith.constant 0 : i32
        %swap3A_444 = tpu.memref_slice %arg7[%scan3A_108, %swap3A_442, %swap3A_443] : memref<2x128x64xf32, #tpu.memory_space<vmem>> -> memref<1x128x64xf32, #tpu.memory_space<vmem>>
        %swap3A_445 = tpu.memref_squeeze %swap3A_444 : memref<1x128x64xf32, #tpu.memory_space<vmem>> -> memref<128x64xf32, #tpu.memory_space<vmem>>
        %swap3A_446 = arith.index_cast %add3A_441 : i32 to index
        %swap3A_447 = arith.constant 32 : index
        %swap3A_448 = tpu.vector_load %swap3A_445[%swap3A_446, %swap3A_447] {strides = array<i32>} : memref<128x64xf32, #tpu.memory_space<vmem>>, vector<1x16xf32>,
        %swap3A_449 = vector.shape_cast %swap3A_448 : vector<1x16xf32> to vector<16xf32>
        %swap3A_450 = vector.shape_cast %mul3A_439 : vector<16xf32> to vector<1x16xf32>
        tpu.vector_store %swap3A_445[%swap3A_446, %swap3A_447], %swap3A_450 {strides = array<i32>} : memref<128x64xf32, #tpu.memory_space<vmem>>, vector<1x16xf32>,
        %add3A_451 = arith.constant 2 : i32
        %add3A_452 = arith.addi %mul3A_188, %add3A_451 : i32
        %get3A_453 = arith.constant 0 : i32
        %get3A_454 = arith.constant 0 : i32
        %get3A_455 = tpu.memref_slice %arg6[%scan3A_107, %get3A_453, %get3A_454] : memref<2x128x128xf32, #tpu.memory_space<vmem>> -> memref<1x128x128xf32, #tpu.memory_space<vmem>>
        %get3A_456 = tpu.memref_squeeze %get3A_455 : memref<1x128x128xf32, #tpu.memory_space<vmem>> -> memref<128x128xf32, #tpu.memory_space<vmem>>
        %get3A_457 = arith.index_cast %add3A_452 : i32 to index
        %get3A_458 = arith.constant 48 : index
        %get3A_459 = tpu.vector_load %get3A_456[%get3A_457, %get3A_458] {strides = array<i32>} : memref<128x128xf32, #tpu.memory_space<vmem>>, vector<1x16xf32>,
        %get3A_460 = vector.shape_cast %get3A_459 : vector<1x16xf32> to vector<16xf32>
        %mul3A_461 = arith.constant 8.000000e+00 : f32
        %mul3A_462 = vector.broadcast %mul3A_461 : f32 to vector<16xf32>
        %mul3A_463 = arith.mulf %get3A_460, %mul3A_462 : vector<16xf32>
        %add3A_464 = arith.constant 2 : i32
        %add3A_465 = arith.addi %mul3A_188, %add3A_464 : i32
        %swap3A_466 = arith.constant 0 : i32
        %swap3A_467 = arith.constant 0 : i32
        %swap3A_468 = tpu.memref_slice %arg7[%scan3A_108, %swap3A_466, %swap3A_467] : memref<2x128x64xf32, #tpu.memory_space<vmem>> -> memref<1x128x64xf32, #tpu.memory_space<vmem>>
        %swap3A_469 = tpu.memref_squeeze %swap3A_468 : memref<1x128x64xf32, #tpu.memory_space<vmem>> -> memref<128x64xf32, #tpu.memory_space<vmem>>
        %swap3A_470 = arith.index_cast %add3A_465 : i32 to index
        %swap3A_471 = arith.constant 48 : index
        %swap3A_472 = tpu.vector_load %swap3A_469[%swap3A_470, %swap3A_471] {strides = array<i32>} : memref<128x64xf32, #tpu.memory_space<vmem>>, vector<1x16xf32>,
        %swap3A_473 = vector.shape_cast %swap3A_472 : vector<1x16xf32> to vector<16xf32>
        %swap3A_474 = vector.shape_cast %mul3A_463 : vector<16xf32> to vector<1x16xf32>
        tpu.vector_store %swap3A_469[%swap3A_470, %swap3A_471], %swap3A_474 {strides = array<i32>} : memref<128x64xf32, #tpu.memory_space<vmem>>, vector<1x16xf32>,
        %add3A_475 = arith.constant 3 : i32
        %add3A_476 = arith.addi %mul3A_188, %add3A_475 : i32
        %get3A_477 = arith.constant 0 : i32
        %get3A_478 = arith.constant 0 : i32
        %get3A_479 = tpu.memref_slice %arg6[%scan3A_107, %get3A_477, %get3A_478] : memref<2x128x128xf32, #tpu.memory_space<vmem>> -> memref<1x128x128xf32, #tpu.memory_space<vmem>>
        %get3A_480 = tpu.memref_squeeze %get3A_479 : memref<1x128x128xf32, #tpu.memory_space<vmem>> -> memref<128x128xf32, #tpu.memory_space<vmem>>
        %get3A_481 = arith.index_cast %add3A_476 : i32 to index
        %get3A_482 = arith.constant 0 : index
        %get3A_483 = tpu.vector_load %get3A_480[%get3A_481, %get3A_482] {strides = array<i32>} : memref<128x128xf32, #tpu.memory_space<vmem>>, vector<1x16xf32>,
        %get3A_484 = vector.shape_cast %get3A_483 : vector<1x16xf32> to vector<16xf32>
        %mul3A_485 = arith.constant 8.000000e+00 : f32
        %mul3A_486 = vector.broadcast %mul3A_485 : f32 to vector<16xf32>
        %mul3A_487 = arith.mulf %get3A_484, %mul3A_486 : vector<16xf32>
        %add3A_488 = arith.constant 3 : i32
        %add3A_489 = arith.addi %mul3A_188, %add3A_488 : i32
        %swap3A_490 = arith.constant 0 : i32
        %swap3A_491 = arith.constant 0 : i32
        %swap3A_492 = tpu.memref_slice %arg7[%scan3A_108, %swap3A_490, %swap3A_491] : memref<2x128x64xf32, #tpu.memory_space<vmem>> -> memref<1x128x64xf32, #tpu.memory_space<vmem>>
        %swap3A_493 = tpu.memref_squeeze %swap3A_492 : memref<1x128x64xf32, #tpu.memory_space<vmem>> -> memref<128x64xf32, #tpu.memory_space<vmem>>
        %swap3A_494 = arith.index_cast %add3A_489 : i32 to index
        %swap3A_495 = arith.constant 0 : index
        %swap3A_496 = tpu.vector_load %swap3A_493[%swap3A_494, %swap3A_495] {strides = array<i32>} : memref<128x64xf32, #tpu.memory_space<vmem>>, vector<1x16xf32>,
        %swap3A_497 = vector.shape_cast %swap3A_496 : vector<1x16xf32> to vector<16xf32>
        %swap3A_498 = vector.shape_cast %mul3A_487 : vector<16xf32> to vector<1x16xf32>
        tpu.vector_store %swap3A_493[%swap3A_494, %swap3A_495], %swap3A_498 {strides = array<i32>} : memref<128x64xf32, #tpu.memory_space<vmem>>, vector<1x16xf32>,
        %add3A_499 = arith.constant 3 : i32
        %add3A_500 = arith.addi %mul3A_188, %add3A_499 : i32
        %get3A_501 = arith.constant 0 : i32
        %get3A_502 = arith.constant 0 : i32
        %get3A_503 = tpu.memref_slice %arg6[%scan3A_107, %get3A_501, %get3A_502] : memref<2x128x128xf32, #tpu.memory_space<vmem>> -> memref<1x128x128xf32, #tpu.memory_space<vmem>>
        %get3A_504 = tpu.memref_squeeze %get3A_503 : memref<1x128x128xf32, #tpu.memory_space<vmem>> -> memref<128x128xf32, #tpu.memory_space<vmem>>
        %get3A_505 = arith.index_cast %add3A_500 : i32 to index
        %get3A_506 = arith.constant 16 : index
        %get3A_507 = tpu.vector_load %get3A_504[%get3A_505, %get3A_506] {strides = array<i32>} : memref<128x128xf32, #tpu.memory_space<vmem>>, vector<1x16xf32>,
        %get3A_508 = vector.shape_cast %get3A_507 : vector<1x16xf32> to vector<16xf32>
        %mul3A_509 = arith.constant 8.000000e+00 : f32
        %mul3A_510 = vector.broadcast %mul3A_509 : f32 to vector<16xf32>
        %mul3A_511 = arith.mulf %get3A_508, %mul3A_510 : vector<16xf32>
        %add3A_512 = arith.constant 3 : i32
        %add3A_513 = arith.addi %mul3A_188, %add3A_512 : i32
        %swap3A_514 = arith.constant 0 : i32
        %swap3A_515 = arith.constant 0 : i32
        %swap3A_516 = tpu.memref_slice %arg7[%scan3A_108, %swap3A_514, %swap3A_515] : memref<2x128x64xf32, #tpu.memory_space<vmem>> -> memref<1x128x64xf32, #tpu.memory_space<vmem>>
        %swap3A_517 = tpu.memref_squeeze %swap3A_516 : memref<1x128x64xf32, #tpu.memory_space<vmem>> -> memref<128x64xf32, #tpu.memory_space<vmem>>
        %swap3A_518 = arith.index_cast %add3A_513 : i32 to index
        %swap3A_519 = arith.constant 16 : index
        %swap3A_520 = tpu.vector_load %swap3A_517[%swap3A_518, %swap3A_519] {strides = array<i32>} : memref<128x64xf32, #tpu.memory_space<vmem>>, vector<1x16xf32>,
        %swap3A_521 = vector.shape_cast %swap3A_520 : vector<1x16xf32> to vector<16xf32>
        %swap3A_522 = vector.shape_cast %mul3A_511 : vector<16xf32> to vector<1x16xf32>
        tpu.vector_store %swap3A_517[%swap3A_518, %swap3A_519], %swap3A_522 {strides = array<i32>} : memref<128x64xf32, #tpu.memory_space<vmem>>, vector<1x16xf32>,
        %add3A_523 = arith.constant 3 : i32
        %add3A_524 = arith.addi %mul3A_188, %add3A_523 : i32
        %get3A_525 = arith.constant 0 : i32
        %get3A_526 = arith.constant 0 : i32
        %get3A_527 = tpu.memref_slice %arg6[%scan3A_107, %get3A_525, %get3A_526] : memref<2x128x128xf32, #tpu.memory_space<vmem>> -> memref<1x128x128xf32, #tpu.memory_space<vmem>>
        %get3A_528 = tpu.memref_squeeze %get3A_527 : memref<1x128x128xf32, #tpu.memory_space<vmem>> -> memref<128x128xf32, #tpu.memory_space<vmem>>
        %get3A_529 = arith.index_cast %add3A_524 : i32 to index
        %get3A_530 = arith.constant 32 : index
        %get3A_531 = tpu.vector_load %get3A_528[%get3A_529, %get3A_530] {strides = array<i32>} : memref<128x128xf32, #tpu.memory_space<vmem>>, vector<1x16xf32>,
        %get3A_532 = vector.shape_cast %get3A_531 : vector<1x16xf32> to vector<16xf32>
        %mul3A_533 = arith.constant 8.000000e+00 : f32
        %mul3A_534 = vector.broadcast %mul3A_533 : f32 to vector<16xf32>
        %mul3A_535 = arith.mulf %get3A_532, %mul3A_534 : vector<16xf32>
        %add3A_536 = arith.constant 3 : i32
        %add3A_537 = arith.addi %mul3A_188, %add3A_536 : i32
        %swap3A_538 = arith.constant 0 : i32
        %swap3A_539 = arith.constant 0 : i32
        %swap3A_540 = tpu.memref_slice %arg7[%scan3A_108, %swap3A_538, %swap3A_539] : memref<2x128x64xf32, #tpu.memory_space<vmem>> -> memref<1x128x64xf32, #tpu.memory_space<vmem>>
        %swap3A_541 = tpu.memref_squeeze %swap3A_540 : memref<1x128x64xf32, #tpu.memory_space<vmem>> -> memref<128x64xf32, #tpu.memory_space<vmem>>
        %swap3A_542 = arith.index_cast %add3A_537 : i32 to index
        %swap3A_543 = arith.constant 32 : index
        %swap3A_544 = tpu.vector_load %swap3A_541[%swap3A_542, %swap3A_543] {strides = array<i32>} : memref<128x64xf32, #tpu.memory_space<vmem>>, vector<1x16xf32>,
        %swap3A_545 = vector.shape_cast %swap3A_544 : vector<1x16xf32> to vector<16xf32>
        %swap3A_546 = vector.shape_cast %mul3A_535 : vector<16xf32> to vector<1x16xf32>
        tpu.vector_store %swap3A_541[%swap3A_542, %swap3A_543], %swap3A_546 {strides = array<i32>} : memref<128x64xf32, #tpu.memory_space<vmem>>, vector<1x16xf32>,
        %add3A_547 = arith.constant 3 : i32
        %add3A_548 = arith.addi %mul3A_188, %add3A_547 : i32
        %get3A_549 = arith.constant 0 : i32
        %get3A_550 = arith.constant 0 : i32
        %get3A_551 = tpu.memref_slice %arg6[%scan3A_107, %get3A_549, %get3A_550] : memref<2x128x128xf32, #tpu.memory_space<vmem>> -> memref<1x128x128xf32, #tpu.memory_space<vmem>>
        %get3A_552 = tpu.memref_squeeze %get3A_551 : memref<1x128x128xf32, #tpu.memory_space<vmem>> -> memref<128x128xf32, #tpu.memory_space<vmem>>
        %get3A_553 = arith.index_cast %add3A_548 : i32 to index
        %get3A_554 = arith.constant 48 : index
        %get3A_555 = tpu.vector_load %get3A_552[%get3A_553, %get3A_554] {strides = array<i32>} : memref<128x128xf32, #tpu.memory_space<vmem>>, vector<1x16xf32>,
        %get3A_556 = vector.shape_cast %get3A_555 : vector<1x16xf32> to vector<16xf32>
        %mul3A_557 = arith.constant 8.000000e+00 : f32
        %mul3A_558 = vector.broadcast %mul3A_557 : f32 to vector<16xf32>
        %mul3A_559 = arith.mulf %get3A_556, %mul3A_558 : vector<16xf32>
        %add3A_560 = arith.constant 3 : i32
        %add3A_561 = arith.addi %mul3A_188, %add3A_560 : i32
        %swap3A_562 = arith.constant 0 : i32
        %swap3A_563 = arith.constant 0 : i32
        %swap3A_564 = tpu.memref_slice %arg7[%scan3A_108, %swap3A_562, %swap3A_563] : memref<2x128x64xf32, #tpu.memory_space<vmem>> -> memref<1x128x64xf32, #tpu.memory_space<vmem>>
        %swap3A_565 = tpu.memref_squeeze %swap3A_564 : memref<1x128x64xf32, #tpu.memory_space<vmem>> -> memref<128x64xf32, #tpu.memory_space<vmem>>
        %swap3A_566 = arith.index_cast %add3A_561 : i32 to index
        %swap3A_567 = arith.constant 48 : index
        %swap3A_568 = tpu.vector_load %swap3A_565[%swap3A_566, %swap3A_567] {strides = array<i32>} : memref<128x64xf32, #tpu.memory_space<vmem>>, vector<1x16xf32>,
        %swap3A_569 = vector.shape_cast %swap3A_568 : vector<1x16xf32> to vector<16xf32>
        %swap3A_570 = vector.shape_cast %mul3A_559 : vector<16xf32> to vector<1x16xf32>
        tpu.vector_store %swap3A_565[%swap3A_566, %swap3A_567], %swap3A_570 {strides = array<i32>} : memref<128x64xf32, #tpu.memory_space<vmem>>, vector<1x16xf32>,
      }
      %scan3A_113 = arith.constant 32 : i32
      %mul3A_114 = arith.constant 128 : i32
      %mul3A_115 = arith.muli %add3A_81, %mul3A_114 : i32
      %add3A_116 = arith.addi %mul3A_4, %mul3A_115 : i32
      %dma_start3A_117 = arith.constant 0 : i32
      %dma_start3A_118 = arith.constant 0 : i32
      %dma_start3A_119 = arith.constant 0 : i32
      %dma_start3A_120 = tpu.memref_slice %arg7[%dma_start3A_117, %dma_start3A_118, %dma_start3A_119] : memref<2x128x64xf32, #tpu.memory_space<vmem>> -> memref<1x128x64xf32, #tpu.memory_space<vmem>>
      %dma_start3A_121 = tpu.memref_squeeze %dma_start3A_120 : memref<1x128x64xf32, #tpu.memory_space<vmem>> -> memref<128x64xf32, #tpu.memory_space<vmem>>
      %dma_start3A_122 = arith.constant 0 : i32
      %dma_start3A_123 = tpu.memref_slice %arg4[%add3A_116, %dma_start3A_122] : memref<819200x64xf32, #tpu.memory_space<hbm>> -> memref<128x64xf32, #tpu.memory_space<hbm>>
      %dma_start3A_124 = arith.constant 0 : i32
      %dma_start3A_125 = tpu.memref_slice %arg4[%add3A_116, %dma_start3A_124] : memref<819200x64xf32, #tpu.memory_space<hbm>> -> memref<128x64xf32, #tpu.memory_space<hbm>>
      %dma_start3A_126 = arith.constant 0 : i32
      %dma_start3A_127 = arith.constant 0 : i32
      %dma_start3A_128 = tpu.memref_slice %arg7[%dma_start3A_117, %dma_start3A_126, %dma_start3A_127] : memref<2x128x64xf32, #tpu.memory_space<vmem>> -> memref<1x128x64xf32, #tpu.memory_space<vmem>>
      %dma_start3A_129 = tpu.memref_squeeze %dma_start3A_128 : memref<1x128x64xf32, #tpu.memory_space<vmem>> -> memref<128x64xf32, #tpu.memory_space<vmem>>
      tpu.enqueue_dma source(%dma_start3A_129 : memref<128x64xf32, #tpu.memory_space<vmem>>) target(%dma_start3A_125 : memref<128x64xf32, #tpu.memory_space<hbm>>) target_semaphore(%arg12 : memref<!tpu.dma_semaphore, #tpu.memory_space<semaphore_mem>>)
      %mul3A_130 = arith.constant 2 : i32
      %mul3A_131 = arith.muli %scan3A_77, %mul3A_130 : i32
      %add3A_132 = arith.constant 1 : i32
      %add3A_133 = arith.addi %mul3A_131, %add3A_132 : i32
      %dma_wait3A_134 = arith.constant 1 : i32
      %dma_wait3A_135 = arith.constant 0 : i32
      %dma_wait3A_136 = arith.constant 1 : i32
      %dma_wait3A_137 = arith.constant 0 : i32
      %dma_wait3A_138 = arith.constant 0 : i32
      %dma_wait3A_139 = tpu.memref_slice %arg6[%dma_wait3A_136, %dma_wait3A_137, %dma_wait3A_138] : memref<2x128x128xf32, #tpu.memory_space<vmem>> -> memref<1x128x128xf32, #tpu.memory_space<vmem>>
      %dma_wait3A_140 = tpu.memref_squeeze %dma_wait3A_139 : memref<1x128x128xf32, #tpu.memory_space<vmem>> -> memref<128x128xf32, #tpu.memory_space<vmem>>
      %dma_wait3A_141 = arith.constant 0 : i32
      %dma_wait3A_142 = tpu.memref_slice %arg5[%dma_wait3A_134, %dma_wait3A_135, %dma_wait3A_141] : memref<2x1x128xi32, #tpu.memory_space<vmem>> -> memref<1x1x128xi32, #tpu.memory_space<vmem>>
      %dma_wait3A_143 = tpu.memref_squeeze %dma_wait3A_142 : memref<1x1x128xi32, #tpu.memory_space<vmem>> -> memref<128xi32, #tpu.memory_space<vmem>>
      %dma_wait3A_144 = arith.constant 0 : i32
      %dma_wait3A_145 = arith.constant 0 : i32
      %dma_wait3A_146 = tpu.memref_slice %arg2[%dma_wait3A_144, %dma_wait3A_145] : memref<1000000x128xf32, #tpu.memory_space<hbm>> -> memref<1000000x128xf32, #tpu.memory_space<hbm>>
      tpu.wait_indirect_dma semaphore(%arg11 : memref<!tpu.dma_semaphore, #tpu.memory_space<semaphore_mem>>) src(%dma_wait3A_146 : memref<1000000x128xf32, #tpu.memory_space<hbm>>) dst(%dma_wait3A_140 : memref<128x128xf32, #tpu.memory_space<vmem>>)
      %lt3A_147 = arith.constant 198 : i32
      %lt3A_148 = arith.cmpi slt, %add3A_133, %lt3A_147 : i32
      %convert_element_type3A_149 = arith.extui %lt3A_148 : i1 to i32
      %cond3A_150 = arith.constant 0 : i32
      %cond3A_151 = arith.cmpi ne, %convert_element_type3A_149, %cond3A_150 : i32
      scf.if %cond3A_151 {
        %add3A_186 = arith.constant 2 : i32
        %add3A_187 = arith.addi %add3A_133, %add3A_186 : i32
        %mul3A_188 = arith.constant 1 : i32
        %mul3A_189 = arith.muli %add3A_187, %mul3A_188 : i32
        %add3A_190 = arith.addi %mul3A_2, %mul3A_189 : i32
        %dma_start3A_191 = arith.constant 1 : i32
        %dma_start3A_192 = arith.constant 0 : i32
        %dma_start3A_193 = arith.constant 0 : i32
        %dma_start3A_194 = tpu.memref_slice %arg5[%dma_start3A_191, %dma_start3A_192, %dma_start3A_193] : memref<2x1x128xi32, #tpu.memory_space<vmem>> -> memref<1x1x128xi32, #tpu.memory_space<vmem>>
        %dma_start3A_195 = tpu.memref_squeeze %dma_start3A_194 : memref<1x1x128xi32, #tpu.memory_space<vmem>> -> memref<1x128xi32, #tpu.memory_space<vmem>>
        %dma_start3A_196 = arith.constant 0 : i32
        %dma_start3A_197 = tpu.memref_slice %arg3[%add3A_190, %dma_start3A_196] : memref<6400x128xi32, #tpu.memory_space<hbm>> -> memref<1x128xi32, #tpu.memory_space<hbm>>
        %dma_start3A_198 = arith.constant 0 : i32
        %dma_start3A_199 = arith.constant 0 : i32
        %dma_start3A_200 = tpu.memref_slice %arg5[%dma_start3A_191, %dma_start3A_198, %dma_start3A_199] : memref<2x1x128xi32, #tpu.memory_space<vmem>> -> memref<1x1x128xi32, #tpu.memory_space<vmem>>
        %dma_start3A_201 = tpu.memref_squeeze %dma_start3A_200 : memref<1x1x128xi32, #tpu.memory_space<vmem>> -> memref<1x128xi32, #tpu.memory_space<vmem>>
        %dma_start3A_202 = arith.constant 0 : i32
        %dma_start3A_203 = tpu.memref_slice %arg3[%add3A_190, %dma_start3A_202] : memref<6400x128xi32, #tpu.memory_space<hbm>> -> memref<1x128xi32, #tpu.memory_space<hbm>>
        tpu.enqueue_dma source(%dma_start3A_203 : memref<1x128xi32, #tpu.memory_space<hbm>>) target(%dma_start3A_201 : memref<1x128xi32, #tpu.memory_space<vmem>>) target_semaphore(%arg9 : memref<!tpu.dma_semaphore, #tpu.memory_space<semaphore_mem>>)
      } else {
      }
      %ge3A_152 = arith.constant 1 : i32
      %ge3A_153 = arith.cmpi sge, %add3A_133, %ge3A_152 : i32
      %convert_element_type3A_154 = arith.extui %ge3A_153 : i1 to i32
      %cond3A_155 = arith.constant 0 : i32
      %cond3A_156 = arith.cmpi ne, %convert_element_type3A_154, %cond3A_155 : i32
      scf.if %cond3A_156 {
        %dma_wait3A_186 = arith.constant 0 : i32
        %dma_wait3A_187 = arith.constant 0 : i32
        %dma_wait3A_188 = arith.constant 0 : i32
        %dma_wait3A_189 = tpu.memref_slice %arg7[%dma_wait3A_186, %dma_wait3A_187, %dma_wait3A_188] : memref<2x128x64xf32, #tpu.memory_space<vmem>> -> memref<1x128x64xf32, #tpu.memory_space<vmem>>
        %dma_wait3A_190 = tpu.memref_squeeze %dma_wait3A_189 : memref<1x128x64xf32, #tpu.memory_space<vmem>> -> memref<128x64xf32, #tpu.memory_space<vmem>>
        %dma_wait3A_191 = arith.constant 0 : i32
        %dma_wait3A_192 = tpu.memref_slice %arg4[%mul3A_4, %dma_wait3A_191] : memref<819200x64xf32, #tpu.memory_space<hbm>> -> memref<128x64xf32, #tpu.memory_space<hbm>>
        %dma_wait3A_193 = arith.constant 0 : i32
        %dma_wait3A_194 = tpu.memref_slice %arg4[%mul3A_4, %dma_wait3A_193] : memref<819200x64xf32, #tpu.memory_space<hbm>> -> memref<128x64xf32, #tpu.memory_space<hbm>>
        %dma_wait3A_195 = arith.constant 0 : i32
        %dma_wait3A_196 = arith.constant 0 : i32
        %dma_wait3A_197 = tpu.memref_slice %arg7[%dma_wait3A_186, %dma_wait3A_195, %dma_wait3A_196] : memref<2x128x64xf32, #tpu.memory_space<vmem>> -> memref<1x128x64xf32, #tpu.memory_space<vmem>>
        %dma_wait3A_198 = tpu.memref_squeeze %dma_wait3A_197 : memref<1x128x64xf32, #tpu.memory_space<vmem>> -> memref<128x64xf32, #tpu.memory_space<vmem>>
        tpu.wait_dma2 semaphore(%arg12 : memref<!tpu.dma_semaphore, #tpu.memory_space<semaphore_mem>>) src(%dma_wait3A_198 : memref<128x64xf32, #tpu.memory_space<vmem>>) dst(%dma_wait3A_194 : memref<128x64xf32, #tpu.memory_space<hbm>>)
      } else {
      }
      %lt3A_157 = arith.constant 199 : i32
      %lt3A_158 = arith.cmpi slt, %add3A_133, %lt3A_157 : i32
      %convert_element_type3A_159 = arith.extui %lt3A_158 : i1 to i32
      %cond3A_160 = arith.constant 0 : i32
      %cond3A_161 = arith.cmpi ne, %convert_element_type3A_159, %cond3A_160 : i32
      scf.if %cond3A_161 {
        %dma_wait3A_186 = arith.constant 0 : i32
        %dma_wait3A_187 = arith.constant 0 : i32
        %dma_wait3A_188 = arith.constant 0 : i32
        %dma_wait3A_189 = tpu.memref_slice %arg5[%dma_wait3A_186, %dma_wait3A_187, %dma_wait3A_188] : memref<2x1x128xi32, #tpu.memory_space<vmem>> -> memref<1x1x128xi32, #tpu.memory_space<vmem>>
        %dma_wait3A_190 = tpu.memref_squeeze %dma_wait3A_189 : memref<1x1x128xi32, #tpu.memory_space<vmem>> -> memref<1x128xi32, #tpu.memory_space<vmem>>
        %dma_wait3A_191 = arith.constant 0 : i32
        %dma_wait3A_192 = tpu.memref_slice %arg3[%mul3A_2, %dma_wait3A_191] : memref<6400x128xi32, #tpu.memory_space<hbm>> -> memref<1x128xi32, #tpu.memory_space<hbm>>
        %dma_wait3A_193 = arith.constant 0 : i32
        %dma_wait3A_194 = arith.constant 0 : i32
        %dma_wait3A_195 = tpu.memref_slice %arg5[%dma_wait3A_186, %dma_wait3A_193, %dma_wait3A_194] : memref<2x1x128xi32, #tpu.memory_space<vmem>> -> memref<1x1x128xi32, #tpu.memory_space<vmem>>
        %dma_wait3A_196 = tpu.memref_squeeze %dma_wait3A_195 : memref<1x1x128xi32, #tpu.memory_space<vmem>> -> memref<1x128xi32, #tpu.memory_space<vmem>>
        %dma_wait3A_197 = arith.constant 0 : i32
        %dma_wait3A_198 = tpu.memref_slice %arg3[%mul3A_2, %dma_wait3A_197] : memref<6400x128xi32, #tpu.memory_space<hbm>> -> memref<1x128xi32, #tpu.memory_space<hbm>>
        tpu.wait_dma2 semaphore(%arg8 : memref<!tpu.dma_semaphore, #tpu.memory_space<semaphore_mem>>) src(%dma_wait3A_198 : memref<1x128xi32, #tpu.memory_space<hbm>>) dst(%dma_wait3A_196 : memref<1x128xi32, #tpu.memory_space<vmem>>)
        %dma_start3A_199 = arith.constant 0 : i32
        %dma_start3A_200 = arith.constant 0 : i32
        %dma_start3A_201 = arith.constant 0 : i32
        %dma_start3A_202 = arith.constant 0 : i32
        %dma_start3A_203 = arith.constant 0 : i32
        %dma_start3A_204 = tpu.memref_slice %arg6[%dma_start3A_201, %dma_start3A_202, %dma_start3A_203] : memref<2x128x128xf32, #tpu.memory_space<vmem>> -> memref<1x128x128xf32, #tpu.memory_space<vmem>>
        %dma_start3A_205 = tpu.memref_squeeze %dma_start3A_204 : memref<1x128x128xf32, #tpu.memory_space<vmem>> -> memref<128x128xf32, #tpu.memory_space<vmem>>
        %dma_start3A_206 = arith.constant 0 : i32
        %dma_start3A_207 = tpu.memref_slice %arg5[%dma_start3A_199, %dma_start3A_200, %dma_start3A_206] : memref<2x1x128xi32, #tpu.memory_space<vmem>> -> memref<1x1x128xi32, #tpu.memory_space<vmem>>
        %dma_start3A_208 = tpu.memref_squeeze %dma_start3A_207 : memref<1x1x128xi32, #tpu.memory_space<vmem>> -> memref<128xi32, #tpu.memory_space<vmem>>
        %dma_start3A_209 = arith.constant 0 : i32
        %dma_start3A_210 = arith.constant 0 : i32
        %dma_start3A_211 = tpu.memref_slice %arg2[%dma_start3A_209, %dma_start3A_210] : memref<1000000x128xf32, #tpu.memory_space<hbm>> -> memref<1000000x128xf32, #tpu.memory_space<hbm>>
        tpu.enqueue_indirect_dma source(%dma_start3A_211 : memref<1000000x128xf32, #tpu.memory_space<hbm>>) target(%dma_start3A_205 : memref<128x128xf32, #tpu.memory_space<vmem>>) offsets(%dma_start3A_208 : memref<128xi32, #tpu.memory_space<vmem>>) semaphore(%arg10 : memref<!tpu.dma_semaphore, #tpu.memory_space<semaphore_mem>>)
      } else {
      }
      %scan3A_162 = arith.constant 0 : i32
      %scan3A_163 = arith.constant 1 : i32
      %scan3A_164 = arith.constant 1 : i32
      %scan3A_165 = arith.constant 0 : i32
      %scan3A_166 = arith.constant 32 : i32
      %scan3A_167 = arith.addi %scan3A_165, %scan3A_166 : i32
      %scan3A_168 = arith.constant 1 : i32
      scf.for %scan3A_186 = %scan3A_165 to %scan3A_167 step %scan3A_168  : i32 {
        %mul3A_187 = arith.constant 4 : i32
        %mul3A_188 = arith.muli %scan3A_186, %mul3A_187 : i32
        %add3A_189 = arith.constant 0 : i32
        %add3A_190 = arith.addi %mul3A_188, %add3A_189 : i32
        %get3A = arith.constant 0 : i32
        %get3A_191 = arith.constant 0 : i32
        %get3A_192 = tpu.memref_slice %arg6[%scan3A_163, %get3A, %get3A_191] : memref<2x128x128xf32, #tpu.memory_space<vmem>> -> memref<1x128x128xf32, #tpu.memory_space<vmem>>
        %get3A_193 = tpu.memref_squeeze %get3A_192 : memref<1x128x128xf32, #tpu.memory_space<vmem>> -> memref<128x128xf32, #tpu.memory_space<vmem>>
        %get3A_194 = arith.index_cast %add3A_190 : i32 to index
        %get3A_195 = arith.constant 0 : index
        %get3A_196 = tpu.vector_load %get3A_193[%get3A_194, %get3A_195] {strides = array<i32>} : memref<128x128xf32, #tpu.memory_space<vmem>>, vector<1x16xf32>,
        %get3A_197 = vector.shape_cast %get3A_196 : vector<1x16xf32> to vector<16xf32>
        %mul3A_198 = arith.constant 8.000000e+00 : f32
        %mul3A_199 = vector.broadcast %mul3A_198 : f32 to vector<16xf32>
        %mul3A_200 = arith.mulf %get3A_197, %mul3A_199 : vector<16xf32>
        %add3A_201 = arith.constant 0 : i32
        %add3A_202 = arith.addi %mul3A_188, %add3A_201 : i32
        %swap3A = arith.constant 0 : i32
        %swap3A_203 = arith.constant 0 : i32
        %swap3A_204 = tpu.memref_slice %arg7[%scan3A_164, %swap3A, %swap3A_203] : memref<2x128x64xf32, #tpu.memory_space<vmem>> -> memref<1x128x64xf32, #tpu.memory_space<vmem>>
        %swap3A_205 = tpu.memref_squeeze %swap3A_204 : memref<1x128x64xf32, #tpu.memory_space<vmem>> -> memref<128x64xf32, #tpu.memory_space<vmem>>
        %swap3A_206 = arith.index_cast %add3A_202 : i32 to index
        %swap3A_207 = arith.constant 0 : index
        %swap3A_208 = tpu.vector_load %swap3A_205[%swap3A_206, %swap3A_207] {strides = array<i32>} : memref<128x64xf32, #tpu.memory_space<vmem>>, vector<1x16xf32>,
        %swap3A_209 = vector.shape_cast %swap3A_208 : vector<1x16xf32> to vector<16xf32>
        %swap3A_210 = vector.shape_cast %mul3A_200 : vector<16xf32> to vector<1x16xf32>
        tpu.vector_store %swap3A_205[%swap3A_206, %swap3A_207], %swap3A_210 {strides = array<i32>} : memref<128x64xf32, #tpu.memory_space<vmem>>, vector<1x16xf32>,
        %add3A_211 = arith.constant 0 : i32
        %add3A_212 = arith.addi %mul3A_188, %add3A_211 : i32
        %get3A_213 = arith.constant 0 : i32
        %get3A_214 = arith.constant 0 : i32
        %get3A_215 = tpu.memref_slice %arg6[%scan3A_163, %get3A_213, %get3A_214] : memref<2x128x128xf32, #tpu.memory_space<vmem>> -> memref<1x128x128xf32, #tpu.memory_space<vmem>>
        %get3A_216 = tpu.memref_squeeze %get3A_215 : memref<1x128x128xf32, #tpu.memory_space<vmem>> -> memref<128x128xf32, #tpu.memory_space<vmem>>
        %get3A_217 = arith.index_cast %add3A_212 : i32 to index
        %get3A_218 = arith.constant 16 : index
        %get3A_219 = tpu.vector_load %get3A_216[%get3A_217, %get3A_218] {strides = array<i32>} : memref<128x128xf32, #tpu.memory_space<vmem>>, vector<1x16xf32>,
        %get3A_220 = vector.shape_cast %get3A_219 : vector<1x16xf32> to vector<16xf32>
        %mul3A_221 = arith.constant 8.000000e+00 : f32
        %mul3A_222 = vector.broadcast %mul3A_221 : f32 to vector<16xf32>
        %mul3A_223 = arith.mulf %get3A_220, %mul3A_222 : vector<16xf32>
        %add3A_224 = arith.constant 0 : i32
        %add3A_225 = arith.addi %mul3A_188, %add3A_224 : i32
        %swap3A_226 = arith.constant 0 : i32
        %swap3A_227 = arith.constant 0 : i32
        %swap3A_228 = tpu.memref_slice %arg7[%scan3A_164, %swap3A_226, %swap3A_227] : memref<2x128x64xf32, #tpu.memory_space<vmem>> -> memref<1x128x64xf32, #tpu.memory_space<vmem>>
        %swap3A_229 = tpu.memref_squeeze %swap3A_228 : memref<1x128x64xf32, #tpu.memory_space<vmem>> -> memref<128x64xf32, #tpu.memory_space<vmem>>
        %swap3A_230 = arith.index_cast %add3A_225 : i32 to index
        %swap3A_231 = arith.constant 16 : index
        %swap3A_232 = tpu.vector_load %swap3A_229[%swap3A_230, %swap3A_231] {strides = array<i32>} : memref<128x64xf32, #tpu.memory_space<vmem>>, vector<1x16xf32>,
        %swap3A_233 = vector.shape_cast %swap3A_232 : vector<1x16xf32> to vector<16xf32>
        %swap3A_234 = vector.shape_cast %mul3A_223 : vector<16xf32> to vector<1x16xf32>
        tpu.vector_store %swap3A_229[%swap3A_230, %swap3A_231], %swap3A_234 {strides = array<i32>} : memref<128x64xf32, #tpu.memory_space<vmem>>, vector<1x16xf32>,
        %add3A_235 = arith.constant 0 : i32
        %add3A_236 = arith.addi %mul3A_188, %add3A_235 : i32
        %get3A_237 = arith.constant 0 : i32
        %get3A_238 = arith.constant 0 : i32
        %get3A_239 = tpu.memref_slice %arg6[%scan3A_163, %get3A_237, %get3A_238] : memref<2x128x128xf32, #tpu.memory_space<vmem>> -> memref<1x128x128xf32, #tpu.memory_space<vmem>>
        %get3A_240 = tpu.memref_squeeze %get3A_239 : memref<1x128x128xf32, #tpu.memory_space<vmem>> -> memref<128x128xf32, #tpu.memory_space<vmem>>
        %get3A_241 = arith.index_cast %add3A_236 : i32 to index
        %get3A_242 = arith.constant 32 : index
        %get3A_243 = tpu.vector_load %get3A_240[%get3A_241, %get3A_242] {strides = array<i32>} : memref<128x128xf32, #tpu.memory_space<vmem>>, vector<1x16xf32>,
        %get3A_244 = vector.shape_cast %get3A_243 : vector<1x16xf32> to vector<16xf32>
        %mul3A_245 = arith.constant 8.000000e+00 : f32
        %mul3A_246 = vector.broadcast %mul3A_245 : f32 to vector<16xf32>
        %mul3A_247 = arith.mulf %get3A_244, %mul3A_246 : vector<16xf32>
        %add3A_248 = arith.constant 0 : i32
        %add3A_249 = arith.addi %mul3A_188, %add3A_248 : i32
        %swap3A_250 = arith.constant 0 : i32
        %swap3A_251 = arith.constant 0 : i32
        %swap3A_252 = tpu.memref_slice %arg7[%scan3A_164, %swap3A_250, %swap3A_251] : memref<2x128x64xf32, #tpu.memory_space<vmem>> -> memref<1x128x64xf32, #tpu.memory_space<vmem>>
        %swap3A_253 = tpu.memref_squeeze %swap3A_252 : memref<1x128x64xf32, #tpu.memory_space<vmem>> -> memref<128x64xf32, #tpu.memory_space<vmem>>
        %swap3A_254 = arith.index_cast %add3A_249 : i32 to index
        %swap3A_255 = arith.constant 32 : index
        %swap3A_256 = tpu.vector_load %swap3A_253[%swap3A_254, %swap3A_255] {strides = array<i32>} : memref<128x64xf32, #tpu.memory_space<vmem>>, vector<1x16xf32>,
        %swap3A_257 = vector.shape_cast %swap3A_256 : vector<1x16xf32> to vector<16xf32>
        %swap3A_258 = vector.shape_cast %mul3A_247 : vector<16xf32> to vector<1x16xf32>
        tpu.vector_store %swap3A_253[%swap3A_254, %swap3A_255], %swap3A_258 {strides = array<i32>} : memref<128x64xf32, #tpu.memory_space<vmem>>, vector<1x16xf32>,
        %add3A_259 = arith.constant 0 : i32
        %add3A_260 = arith.addi %mul3A_188, %add3A_259 : i32
        %get3A_261 = arith.constant 0 : i32
        %get3A_262 = arith.constant 0 : i32
        %get3A_263 = tpu.memref_slice %arg6[%scan3A_163, %get3A_261, %get3A_262] : memref<2x128x128xf32, #tpu.memory_space<vmem>> -> memref<1x128x128xf32, #tpu.memory_space<vmem>>
        %get3A_264 = tpu.memref_squeeze %get3A_263 : memref<1x128x128xf32, #tpu.memory_space<vmem>> -> memref<128x128xf32, #tpu.memory_space<vmem>>
        %get3A_265 = arith.index_cast %add3A_260 : i32 to index
        %get3A_266 = arith.constant 48 : index
        %get3A_267 = tpu.vector_load %get3A_264[%get3A_265, %get3A_266] {strides = array<i32>} : memref<128x128xf32, #tpu.memory_space<vmem>>, vector<1x16xf32>,
        %get3A_268 = vector.shape_cast %get3A_267 : vector<1x16xf32> to vector<16xf32>
        %mul3A_269 = arith.constant 8.000000e+00 : f32
        %mul3A_270 = vector.broadcast %mul3A_269 : f32 to vector<16xf32>
        %mul3A_271 = arith.mulf %get3A_268, %mul3A_270 : vector<16xf32>
        %add3A_272 = arith.constant 0 : i32
        %add3A_273 = arith.addi %mul3A_188, %add3A_272 : i32
        %swap3A_274 = arith.constant 0 : i32
        %swap3A_275 = arith.constant 0 : i32
        %swap3A_276 = tpu.memref_slice %arg7[%scan3A_164, %swap3A_274, %swap3A_275] : memref<2x128x64xf32, #tpu.memory_space<vmem>> -> memref<1x128x64xf32, #tpu.memory_space<vmem>>
        %swap3A_277 = tpu.memref_squeeze %swap3A_276 : memref<1x128x64xf32, #tpu.memory_space<vmem>> -> memref<128x64xf32, #tpu.memory_space<vmem>>
        %swap3A_278 = arith.index_cast %add3A_273 : i32 to index
        %swap3A_279 = arith.constant 48 : index
        %swap3A_280 = tpu.vector_load %swap3A_277[%swap3A_278, %swap3A_279] {strides = array<i32>} : memref<128x64xf32, #tpu.memory_space<vmem>>, vector<1x16xf32>,
        %swap3A_281 = vector.shape_cast %swap3A_280 : vector<1x16xf32> to vector<16xf32>
        %swap3A_282 = vector.shape_cast %mul3A_271 : vector<16xf32> to vector<1x16xf32>
        tpu.vector_store %swap3A_277[%swap3A_278, %swap3A_279], %swap3A_282 {strides = array<i32>} : memref<128x64xf32, #tpu.memory_space<vmem>>, vector<1x16xf32>,
        %add3A_283 = arith.constant 1 : i32
        %add3A_284 = arith.addi %mul3A_188, %add3A_283 : i32
        %get3A_285 = arith.constant 0 : i32
        %get3A_286 = arith.constant 0 : i32
        %get3A_287 = tpu.memref_slice %arg6[%scan3A_163, %get3A_285, %get3A_286] : memref<2x128x128xf32, #tpu.memory_space<vmem>> -> memref<1x128x128xf32, #tpu.memory_space<vmem>>
        %get3A_288 = tpu.memref_squeeze %get3A_287 : memref<1x128x128xf32, #tpu.memory_space<vmem>> -> memref<128x128xf32, #tpu.memory_space<vmem>>
        %get3A_289 = arith.index_cast %add3A_284 : i32 to index
        %get3A_290 = arith.constant 0 : index
        %get3A_291 = tpu.vector_load %get3A_288[%get3A_289, %get3A_290] {strides = array<i32>} : memref<128x128xf32, #tpu.memory_space<vmem>>, vector<1x16xf32>,
        %get3A_292 = vector.shape_cast %get3A_291 : vector<1x16xf32> to vector<16xf32>
        %mul3A_293 = arith.constant 8.000000e+00 : f32
        %mul3A_294 = vector.broadcast %mul3A_293 : f32 to vector<16xf32>
        %mul3A_295 = arith.mulf %get3A_292, %mul3A_294 : vector<16xf32>
        %add3A_296 = arith.constant 1 : i32
        %add3A_297 = arith.addi %mul3A_188, %add3A_296 : i32
        %swap3A_298 = arith.constant 0 : i32
        %swap3A_299 = arith.constant 0 : i32
        %swap3A_300 = tpu.memref_slice %arg7[%scan3A_164, %swap3A_298, %swap3A_299] : memref<2x128x64xf32, #tpu.memory_space<vmem>> -> memref<1x128x64xf32, #tpu.memory_space<vmem>>
        %swap3A_301 = tpu.memref_squeeze %swap3A_300 : memref<1x128x64xf32, #tpu.memory_space<vmem>> -> memref<128x64xf32, #tpu.memory_space<vmem>>
        %swap3A_302 = arith.index_cast %add3A_297 : i32 to index
        %swap3A_303 = arith.constant 0 : index
        %swap3A_304 = tpu.vector_load %swap3A_301[%swap3A_302, %swap3A_303] {strides = array<i32>} : memref<128x64xf32, #tpu.memory_space<vmem>>, vector<1x16xf32>,
        %swap3A_305 = vector.shape_cast %swap3A_304 : vector<1x16xf32> to vector<16xf32>
        %swap3A_306 = vector.shape_cast %mul3A_295 : vector<16xf32> to vector<1x16xf32>
        tpu.vector_store %swap3A_301[%swap3A_302, %swap3A_303], %swap3A_306 {strides = array<i32>} : memref<128x64xf32, #tpu.memory_space<vmem>>, vector<1x16xf32>,
        %add3A_307 = arith.constant 1 : i32
        %add3A_308 = arith.addi %mul3A_188, %add3A_307 : i32
        %get3A_309 = arith.constant 0 : i32
        %get3A_310 = arith.constant 0 : i32
        %get3A_311 = tpu.memref_slice %arg6[%scan3A_163, %get3A_309, %get3A_310] : memref<2x128x128xf32, #tpu.memory_space<vmem>> -> memref<1x128x128xf32, #tpu.memory_space<vmem>>
        %get3A_312 = tpu.memref_squeeze %get3A_311 : memref<1x128x128xf32, #tpu.memory_space<vmem>> -> memref<128x128xf32, #tpu.memory_space<vmem>>
        %get3A_313 = arith.index_cast %add3A_308 : i32 to index
        %get3A_314 = arith.constant 16 : index
        %get3A_315 = tpu.vector_load %get3A_312[%get3A_313, %get3A_314] {strides = array<i32>} : memref<128x128xf32, #tpu.memory_space<vmem>>, vector<1x16xf32>,
        %get3A_316 = vector.shape_cast %get3A_315 : vector<1x16xf32> to vector<16xf32>
        %mul3A_317 = arith.constant 8.000000e+00 : f32
        %mul3A_318 = vector.broadcast %mul3A_317 : f32 to vector<16xf32>
        %mul3A_319 = arith.mulf %get3A_316, %mul3A_318 : vector<16xf32>
        %add3A_320 = arith.constant 1 : i32
        %add3A_321 = arith.addi %mul3A_188, %add3A_320 : i32
        %swap3A_322 = arith.constant 0 : i32
        %swap3A_323 = arith.constant 0 : i32
        %swap3A_324 = tpu.memref_slice %arg7[%scan3A_164, %swap3A_322, %swap3A_323] : memref<2x128x64xf32, #tpu.memory_space<vmem>> -> memref<1x128x64xf32, #tpu.memory_space<vmem>>
        %swap3A_325 = tpu.memref_squeeze %swap3A_324 : memref<1x128x64xf32, #tpu.memory_space<vmem>> -> memref<128x64xf32, #tpu.memory_space<vmem>>
        %swap3A_326 = arith.index_cast %add3A_321 : i32 to index
        %swap3A_327 = arith.constant 16 : index
        %swap3A_328 = tpu.vector_load %swap3A_325[%swap3A_326, %swap3A_327] {strides = array<i32>} : memref<128x64xf32, #tpu.memory_space<vmem>>, vector<1x16xf32>,
        %swap3A_329 = vector.shape_cast %swap3A_328 : vector<1x16xf32> to vector<16xf32>
        %swap3A_330 = vector.shape_cast %mul3A_319 : vector<16xf32> to vector<1x16xf32>
        tpu.vector_store %swap3A_325[%swap3A_326, %swap3A_327], %swap3A_330 {strides = array<i32>} : memref<128x64xf32, #tpu.memory_space<vmem>>, vector<1x16xf32>,
        %add3A_331 = arith.constant 1 : i32
        %add3A_332 = arith.addi %mul3A_188, %add3A_331 : i32
        %get3A_333 = arith.constant 0 : i32
        %get3A_334 = arith.constant 0 : i32
        %get3A_335 = tpu.memref_slice %arg6[%scan3A_163, %get3A_333, %get3A_334] : memref<2x128x128xf32, #tpu.memory_space<vmem>> -> memref<1x128x128xf32, #tpu.memory_space<vmem>>
        %get3A_336 = tpu.memref_squeeze %get3A_335 : memref<1x128x128xf32, #tpu.memory_space<vmem>> -> memref<128x128xf32, #tpu.memory_space<vmem>>
        %get3A_337 = arith.index_cast %add3A_332 : i32 to index
        %get3A_338 = arith.constant 32 : index
        %get3A_339 = tpu.vector_load %get3A_336[%get3A_337, %get3A_338] {strides = array<i32>} : memref<128x128xf32, #tpu.memory_space<vmem>>, vector<1x16xf32>,
        %get3A_340 = vector.shape_cast %get3A_339 : vector<1x16xf32> to vector<16xf32>
        %mul3A_341 = arith.constant 8.000000e+00 : f32
        %mul3A_342 = vector.broadcast %mul3A_341 : f32 to vector<16xf32>
        %mul3A_343 = arith.mulf %get3A_340, %mul3A_342 : vector<16xf32>
        %add3A_344 = arith.constant 1 : i32
        %add3A_345 = arith.addi %mul3A_188, %add3A_344 : i32
        %swap3A_346 = arith.constant 0 : i32
        %swap3A_347 = arith.constant 0 : i32
        %swap3A_348 = tpu.memref_slice %arg7[%scan3A_164, %swap3A_346, %swap3A_347] : memref<2x128x64xf32, #tpu.memory_space<vmem>> -> memref<1x128x64xf32, #tpu.memory_space<vmem>>
        %swap3A_349 = tpu.memref_squeeze %swap3A_348 : memref<1x128x64xf32, #tpu.memory_space<vmem>> -> memref<128x64xf32, #tpu.memory_space<vmem>>
        %swap3A_350 = arith.index_cast %add3A_345 : i32 to index
        %swap3A_351 = arith.constant 32 : index
        %swap3A_352 = tpu.vector_load %swap3A_349[%swap3A_350, %swap3A_351] {strides = array<i32>} : memref<128x64xf32, #tpu.memory_space<vmem>>, vector<1x16xf32>,
        %swap3A_353 = vector.shape_cast %swap3A_352 : vector<1x16xf32> to vector<16xf32>
        %swap3A_354 = vector.shape_cast %mul3A_343 : vector<16xf32> to vector<1x16xf32>
        tpu.vector_store %swap3A_349[%swap3A_350, %swap3A_351], %swap3A_354 {strides = array<i32>} : memref<128x64xf32, #tpu.memory_space<vmem>>, vector<1x16xf32>,
        %add3A_355 = arith.constant 1 : i32
        %add3A_356 = arith.addi %mul3A_188, %add3A_355 : i32
        %get3A_357 = arith.constant 0 : i32
        %get3A_358 = arith.constant 0 : i32
        %get3A_359 = tpu.memref_slice %arg6[%scan3A_163, %get3A_357, %get3A_358] : memref<2x128x128xf32, #tpu.memory_space<vmem>> -> memref<1x128x128xf32, #tpu.memory_space<vmem>>
        %get3A_360 = tpu.memref_squeeze %get3A_359 : memref<1x128x128xf32, #tpu.memory_space<vmem>> -> memref<128x128xf32, #tpu.memory_space<vmem>>
        %get3A_361 = arith.index_cast %add3A_356 : i32 to index
        %get3A_362 = arith.constant 48 : index
        %get3A_363 = tpu.vector_load %get3A_360[%get3A_361, %get3A_362] {strides = array<i32>} : memref<128x128xf32, #tpu.memory_space<vmem>>, vector<1x16xf32>,
        %get3A_364 = vector.shape_cast %get3A_363 : vector<1x16xf32> to vector<16xf32>
        %mul3A_365 = arith.constant 8.000000e+00 : f32
        %mul3A_366 = vector.broadcast %mul3A_365 : f32 to vector<16xf32>
        %mul3A_367 = arith.mulf %get3A_364, %mul3A_366 : vector<16xf32>
        %add3A_368 = arith.constant 1 : i32
        %add3A_369 = arith.addi %mul3A_188, %add3A_368 : i32
        %swap3A_370 = arith.constant 0 : i32
        %swap3A_371 = arith.constant 0 : i32
        %swap3A_372 = tpu.memref_slice %arg7[%scan3A_164, %swap3A_370, %swap3A_371] : memref<2x128x64xf32, #tpu.memory_space<vmem>> -> memref<1x128x64xf32, #tpu.memory_space<vmem>>
        %swap3A_373 = tpu.memref_squeeze %swap3A_372 : memref<1x128x64xf32, #tpu.memory_space<vmem>> -> memref<128x64xf32, #tpu.memory_space<vmem>>
        %swap3A_374 = arith.index_cast %add3A_369 : i32 to index
        %swap3A_375 = arith.constant 48 : index
        %swap3A_376 = tpu.vector_load %swap3A_373[%swap3A_374, %swap3A_375] {strides = array<i32>} : memref<128x64xf32, #tpu.memory_space<vmem>>, vector<1x16xf32>,
        %swap3A_377 = vector.shape_cast %swap3A_376 : vector<1x16xf32> to vector<16xf32>
        %swap3A_378 = vector.shape_cast %mul3A_367 : vector<16xf32> to vector<1x16xf32>
        tpu.vector_store %swap3A_373[%swap3A_374, %swap3A_375], %swap3A_378 {strides = array<i32>} : memref<128x64xf32, #tpu.memory_space<vmem>>, vector<1x16xf32>,
        %add3A_379 = arith.constant 2 : i32
        %add3A_380 = arith.addi %mul3A_188, %add3A_379 : i32
        %get3A_381 = arith.constant 0 : i32
        %get3A_382 = arith.constant 0 : i32
        %get3A_383 = tpu.memref_slice %arg6[%scan3A_163, %get3A_381, %get3A_382] : memref<2x128x128xf32, #tpu.memory_space<vmem>> -> memref<1x128x128xf32, #tpu.memory_space<vmem>>
        %get3A_384 = tpu.memref_squeeze %get3A_383 : memref<1x128x128xf32, #tpu.memory_space<vmem>> -> memref<128x128xf32, #tpu.memory_space<vmem>>
        %get3A_385 = arith.index_cast %add3A_380 : i32 to index
        %get3A_386 = arith.constant 0 : index
        %get3A_387 = tpu.vector_load %get3A_384[%get3A_385, %get3A_386] {strides = array<i32>} : memref<128x128xf32, #tpu.memory_space<vmem>>, vector<1x16xf32>,
        %get3A_388 = vector.shape_cast %get3A_387 : vector<1x16xf32> to vector<16xf32>
        %mul3A_389 = arith.constant 8.000000e+00 : f32
        %mul3A_390 = vector.broadcast %mul3A_389 : f32 to vector<16xf32>
        %mul3A_391 = arith.mulf %get3A_388, %mul3A_390 : vector<16xf32>
        %add3A_392 = arith.constant 2 : i32
        %add3A_393 = arith.addi %mul3A_188, %add3A_392 : i32
        %swap3A_394 = arith.constant 0 : i32
        %swap3A_395 = arith.constant 0 : i32
        %swap3A_396 = tpu.memref_slice %arg7[%scan3A_164, %swap3A_394, %swap3A_395] : memref<2x128x64xf32, #tpu.memory_space<vmem>> -> memref<1x128x64xf32, #tpu.memory_space<vmem>>
        %swap3A_397 = tpu.memref_squeeze %swap3A_396 : memref<1x128x64xf32, #tpu.memory_space<vmem>> -> memref<128x64xf32, #tpu.memory_space<vmem>>
        %swap3A_398 = arith.index_cast %add3A_393 : i32 to index
        %swap3A_399 = arith.constant 0 : index
        %swap3A_400 = tpu.vector_load %swap3A_397[%swap3A_398, %swap3A_399] {strides = array<i32>} : memref<128x64xf32, #tpu.memory_space<vmem>>, vector<1x16xf32>,
        %swap3A_401 = vector.shape_cast %swap3A_400 : vector<1x16xf32> to vector<16xf32>
        %swap3A_402 = vector.shape_cast %mul3A_391 : vector<16xf32> to vector<1x16xf32>
        tpu.vector_store %swap3A_397[%swap3A_398, %swap3A_399], %swap3A_402 {strides = array<i32>} : memref<128x64xf32, #tpu.memory_space<vmem>>, vector<1x16xf32>,
        %add3A_403 = arith.constant 2 : i32
        %add3A_404 = arith.addi %mul3A_188, %add3A_403 : i32
        %get3A_405 = arith.constant 0 : i32
        %get3A_406 = arith.constant 0 : i32
        %get3A_407 = tpu.memref_slice %arg6[%scan3A_163, %get3A_405, %get3A_406] : memref<2x128x128xf32, #tpu.memory_space<vmem>> -> memref<1x128x128xf32, #tpu.memory_space<vmem>>
        %get3A_408 = tpu.memref_squeeze %get3A_407 : memref<1x128x128xf32, #tpu.memory_space<vmem>> -> memref<128x128xf32, #tpu.memory_space<vmem>>
        %get3A_409 = arith.index_cast %add3A_404 : i32 to index
        %get3A_410 = arith.constant 16 : index
        %get3A_411 = tpu.vector_load %get3A_408[%get3A_409, %get3A_410] {strides = array<i32>} : memref<128x128xf32, #tpu.memory_space<vmem>>, vector<1x16xf32>,
        %get3A_412 = vector.shape_cast %get3A_411 : vector<1x16xf32> to vector<16xf32>
        %mul3A_413 = arith.constant 8.000000e+00 : f32
        %mul3A_414 = vector.broadcast %mul3A_413 : f32 to vector<16xf32>
        %mul3A_415 = arith.mulf %get3A_412, %mul3A_414 : vector<16xf32>
        %add3A_416 = arith.constant 2 : i32
        %add3A_417 = arith.addi %mul3A_188, %add3A_416 : i32
        %swap3A_418 = arith.constant 0 : i32
        %swap3A_419 = arith.constant 0 : i32
        %swap3A_420 = tpu.memref_slice %arg7[%scan3A_164, %swap3A_418, %swap3A_419] : memref<2x128x64xf32, #tpu.memory_space<vmem>> -> memref<1x128x64xf32, #tpu.memory_space<vmem>>
        %swap3A_421 = tpu.memref_squeeze %swap3A_420 : memref<1x128x64xf32, #tpu.memory_space<vmem>> -> memref<128x64xf32, #tpu.memory_space<vmem>>
        %swap3A_422 = arith.index_cast %add3A_417 : i32 to index
        %swap3A_423 = arith.constant 16 : index
        %swap3A_424 = tpu.vector_load %swap3A_421[%swap3A_422, %swap3A_423] {strides = array<i32>} : memref<128x64xf32, #tpu.memory_space<vmem>>, vector<1x16xf32>,
        %swap3A_425 = vector.shape_cast %swap3A_424 : vector<1x16xf32> to vector<16xf32>
        %swap3A_426 = vector.shape_cast %mul3A_415 : vector<16xf32> to vector<1x16xf32>
        tpu.vector_store %swap3A_421[%swap3A_422, %swap3A_423], %swap3A_426 {strides = array<i32>} : memref<128x64xf32, #tpu.memory_space<vmem>>, vector<1x16xf32>,
        %add3A_427 = arith.constant 2 : i32
        %add3A_428 = arith.addi %mul3A_188, %add3A_427 : i32
        %get3A_429 = arith.constant 0 : i32
        %get3A_430 = arith.constant 0 : i32
        %get3A_431 = tpu.memref_slice %arg6[%scan3A_163, %get3A_429, %get3A_430] : memref<2x128x128xf32, #tpu.memory_space<vmem>> -> memref<1x128x128xf32, #tpu.memory_space<vmem>>
        %get3A_432 = tpu.memref_squeeze %get3A_431 : memref<1x128x128xf32, #tpu.memory_space<vmem>> -> memref<128x128xf32, #tpu.memory_space<vmem>>
        %get3A_433 = arith.index_cast %add3A_428 : i32 to index
        %get3A_434 = arith.constant 32 : index
        %get3A_435 = tpu.vector_load %get3A_432[%get3A_433, %get3A_434] {strides = array<i32>} : memref<128x128xf32, #tpu.memory_space<vmem>>, vector<1x16xf32>,
        %get3A_436 = vector.shape_cast %get3A_435 : vector<1x16xf32> to vector<16xf32>
        %mul3A_437 = arith.constant 8.000000e+00 : f32
        %mul3A_438 = vector.broadcast %mul3A_437 : f32 to vector<16xf32>
        %mul3A_439 = arith.mulf %get3A_436, %mul3A_438 : vector<16xf32>
        %add3A_440 = arith.constant 2 : i32
        %add3A_441 = arith.addi %mul3A_188, %add3A_440 : i32
        %swap3A_442 = arith.constant 0 : i32
        %swap3A_443 = arith.constant 0 : i32
        %swap3A_444 = tpu.memref_slice %arg7[%scan3A_164, %swap3A_442, %swap3A_443] : memref<2x128x64xf32, #tpu.memory_space<vmem>> -> memref<1x128x64xf32, #tpu.memory_space<vmem>>
        %swap3A_445 = tpu.memref_squeeze %swap3A_444 : memref<1x128x64xf32, #tpu.memory_space<vmem>> -> memref<128x64xf32, #tpu.memory_space<vmem>>
        %swap3A_446 = arith.index_cast %add3A_441 : i32 to index
        %swap3A_447 = arith.constant 32 : index
        %swap3A_448 = tpu.vector_load %swap3A_445[%swap3A_446, %swap3A_447] {strides = array<i32>} : memref<128x64xf32, #tpu.memory_space<vmem>>, vector<1x16xf32>,
        %swap3A_449 = vector.shape_cast %swap3A_448 : vector<1x16xf32> to vector<16xf32>
        %swap3A_450 = vector.shape_cast %mul3A_439 : vector<16xf32> to vector<1x16xf32>
        tpu.vector_store %swap3A_445[%swap3A_446, %swap3A_447], %swap3A_450 {strides = array<i32>} : memref<128x64xf32, #tpu.memory_space<vmem>>, vector<1x16xf32>,
        %add3A_451 = arith.constant 2 : i32
        %add3A_452 = arith.addi %mul3A_188, %add3A_451 : i32
        %get3A_453 = arith.constant 0 : i32
        %get3A_454 = arith.constant 0 : i32
        %get3A_455 = tpu.memref_slice %arg6[%scan3A_163, %get3A_453, %get3A_454] : memref<2x128x128xf32, #tpu.memory_space<vmem>> -> memref<1x128x128xf32, #tpu.memory_space<vmem>>
        %get3A_456 = tpu.memref_squeeze %get3A_455 : memref<1x128x128xf32, #tpu.memory_space<vmem>> -> memref<128x128xf32, #tpu.memory_space<vmem>>
        %get3A_457 = arith.index_cast %add3A_452 : i32 to index
        %get3A_458 = arith.constant 48 : index
        %get3A_459 = tpu.vector_load %get3A_456[%get3A_457, %get3A_458] {strides = array<i32>} : memref<128x128xf32, #tpu.memory_space<vmem>>, vector<1x16xf32>,
        %get3A_460 = vector.shape_cast %get3A_459 : vector<1x16xf32> to vector<16xf32>
        %mul3A_461 = arith.constant 8.000000e+00 : f32
        %mul3A_462 = vector.broadcast %mul3A_461 : f32 to vector<16xf32>
        %mul3A_463 = arith.mulf %get3A_460, %mul3A_462 : vector<16xf32>
        %add3A_464 = arith.constant 2 : i32
        %add3A_465 = arith.addi %mul3A_188, %add3A_464 : i32
        %swap3A_466 = arith.constant 0 : i32
        %swap3A_467 = arith.constant 0 : i32
        %swap3A_468 = tpu.memref_slice %arg7[%scan3A_164, %swap3A_466, %swap3A_467] : memref<2x128x64xf32, #tpu.memory_space<vmem>> -> memref<1x128x64xf32, #tpu.memory_space<vmem>>
        %swap3A_469 = tpu.memref_squeeze %swap3A_468 : memref<1x128x64xf32, #tpu.memory_space<vmem>> -> memref<128x64xf32, #tpu.memory_space<vmem>>
        %swap3A_470 = arith.index_cast %add3A_465 : i32 to index
        %swap3A_471 = arith.constant 48 : index
        %swap3A_472 = tpu.vector_load %swap3A_469[%swap3A_470, %swap3A_471] {strides = array<i32>} : memref<128x64xf32, #tpu.memory_space<vmem>>, vector<1x16xf32>,
        %swap3A_473 = vector.shape_cast %swap3A_472 : vector<1x16xf32> to vector<16xf32>
        %swap3A_474 = vector.shape_cast %mul3A_463 : vector<16xf32> to vector<1x16xf32>
        tpu.vector_store %swap3A_469[%swap3A_470, %swap3A_471], %swap3A_474 {strides = array<i32>} : memref<128x64xf32, #tpu.memory_space<vmem>>, vector<1x16xf32>,
        %add3A_475 = arith.constant 3 : i32
        %add3A_476 = arith.addi %mul3A_188, %add3A_475 : i32
        %get3A_477 = arith.constant 0 : i32
        %get3A_478 = arith.constant 0 : i32
        %get3A_479 = tpu.memref_slice %arg6[%scan3A_163, %get3A_477, %get3A_478] : memref<2x128x128xf32, #tpu.memory_space<vmem>> -> memref<1x128x128xf32, #tpu.memory_space<vmem>>
        %get3A_480 = tpu.memref_squeeze %get3A_479 : memref<1x128x128xf32, #tpu.memory_space<vmem>> -> memref<128x128xf32, #tpu.memory_space<vmem>>
        %get3A_481 = arith.index_cast %add3A_476 : i32 to index
        %get3A_482 = arith.constant 0 : index
        %get3A_483 = tpu.vector_load %get3A_480[%get3A_481, %get3A_482] {strides = array<i32>} : memref<128x128xf32, #tpu.memory_space<vmem>>, vector<1x16xf32>,
        %get3A_484 = vector.shape_cast %get3A_483 : vector<1x16xf32> to vector<16xf32>
        %mul3A_485 = arith.constant 8.000000e+00 : f32
        %mul3A_486 = vector.broadcast %mul3A_485 : f32 to vector<16xf32>
        %mul3A_487 = arith.mulf %get3A_484, %mul3A_486 : vector<16xf32>
        %add3A_488 = arith.constant 3 : i32
        %add3A_489 = arith.addi %mul3A_188, %add3A_488 : i32
        %swap3A_490 = arith.constant 0 : i32
        %swap3A_491 = arith.constant 0 : i32
        %swap3A_492 = tpu.memref_slice %arg7[%scan3A_164, %swap3A_490, %swap3A_491] : memref<2x128x64xf32, #tpu.memory_space<vmem>> -> memref<1x128x64xf32, #tpu.memory_space<vmem>>
        %swap3A_493 = tpu.memref_squeeze %swap3A_492 : memref<1x128x64xf32, #tpu.memory_space<vmem>> -> memref<128x64xf32, #tpu.memory_space<vmem>>
        %swap3A_494 = arith.index_cast %add3A_489 : i32 to index
        %swap3A_495 = arith.constant 0 : index
        %swap3A_496 = tpu.vector_load %swap3A_493[%swap3A_494, %swap3A_495] {strides = array<i32>} : memref<128x64xf32, #tpu.memory_space<vmem>>, vector<1x16xf32>,
        %swap3A_497 = vector.shape_cast %swap3A_496 : vector<1x16xf32> to vector<16xf32>
        %swap3A_498 = vector.shape_cast %mul3A_487 : vector<16xf32> to vector<1x16xf32>
        tpu.vector_store %swap3A_493[%swap3A_494, %swap3A_495], %swap3A_498 {strides = array<i32>} : memref<128x64xf32, #tpu.memory_space<vmem>>, vector<1x16xf32>,
        %add3A_499 = arith.constant 3 : i32
        %add3A_500 = arith.addi %mul3A_188, %add3A_499 : i32
        %get3A_501 = arith.constant 0 : i32
        %get3A_502 = arith.constant 0 : i32
        %get3A_503 = tpu.memref_slice %arg6[%scan3A_163, %get3A_501, %get3A_502] : memref<2x128x128xf32, #tpu.memory_space<vmem>> -> memref<1x128x128xf32, #tpu.memory_space<vmem>>
        %get3A_504 = tpu.memref_squeeze %get3A_503 : memref<1x128x128xf32, #tpu.memory_space<vmem>> -> memref<128x128xf32, #tpu.memory_space<vmem>>
        %get3A_505 = arith.index_cast %add3A_500 : i32 to index
        %get3A_506 = arith.constant 16 : index
        %get3A_507 = tpu.vector_load %get3A_504[%get3A_505, %get3A_506] {strides = array<i32>} : memref<128x128xf32, #tpu.memory_space<vmem>>, vector<1x16xf32>,
        %get3A_508 = vector.shape_cast %get3A_507 : vector<1x16xf32> to vector<16xf32>
        %mul3A_509 = arith.constant 8.000000e+00 : f32
        %mul3A_510 = vector.broadcast %mul3A_509 : f32 to vector<16xf32>
        %mul3A_511 = arith.mulf %get3A_508, %mul3A_510 : vector<16xf32>
        %add3A_512 = arith.constant 3 : i32
        %add3A_513 = arith.addi %mul3A_188, %add3A_512 : i32
        %swap3A_514 = arith.constant 0 : i32
        %swap3A_515 = arith.constant 0 : i32
        %swap3A_516 = tpu.memref_slice %arg7[%scan3A_164, %swap3A_514, %swap3A_515] : memref<2x128x64xf32, #tpu.memory_space<vmem>> -> memref<1x128x64xf32, #tpu.memory_space<vmem>>
        %swap3A_517 = tpu.memref_squeeze %swap3A_516 : memref<1x128x64xf32, #tpu.memory_space<vmem>> -> memref<128x64xf32, #tpu.memory_space<vmem>>
        %swap3A_518 = arith.index_cast %add3A_513 : i32 to index
        %swap3A_519 = arith.constant 16 : index
        %swap3A_520 = tpu.vector_load %swap3A_517[%swap3A_518, %swap3A_519] {strides = array<i32>} : memref<128x64xf32, #tpu.memory_space<vmem>>, vector<1x16xf32>,
        %swap3A_521 = vector.shape_cast %swap3A_520 : vector<1x16xf32> to vector<16xf32>
        %swap3A_522 = vector.shape_cast %mul3A_511 : vector<16xf32> to vector<1x16xf32>
        tpu.vector_store %swap3A_517[%swap3A_518, %swap3A_519], %swap3A_522 {strides = array<i32>} : memref<128x64xf32, #tpu.memory_space<vmem>>, vector<1x16xf32>,
        %add3A_523 = arith.constant 3 : i32
        %add3A_524 = arith.addi %mul3A_188, %add3A_523 : i32
        %get3A_525 = arith.constant 0 : i32
        %get3A_526 = arith.constant 0 : i32
        %get3A_527 = tpu.memref_slice %arg6[%scan3A_163, %get3A_525, %get3A_526] : memref<2x128x128xf32, #tpu.memory_space<vmem>> -> memref<1x128x128xf32, #tpu.memory_space<vmem>>
        %get3A_528 = tpu.memref_squeeze %get3A_527 : memref<1x128x128xf32, #tpu.memory_space<vmem>> -> memref<128x128xf32, #tpu.memory_space<vmem>>
        %get3A_529 = arith.index_cast %add3A_524 : i32 to index
        %get3A_530 = arith.constant 32 : index
        %get3A_531 = tpu.vector_load %get3A_528[%get3A_529, %get3A_530] {strides = array<i32>} : memref<128x128xf32, #tpu.memory_space<vmem>>, vector<1x16xf32>,
        %get3A_532 = vector.shape_cast %get3A_531 : vector<1x16xf32> to vector<16xf32>
        %mul3A_533 = arith.constant 8.000000e+00 : f32
        %mul3A_534 = vector.broadcast %mul3A_533 : f32 to vector<16xf32>
        %mul3A_535 = arith.mulf %get3A_532, %mul3A_534 : vector<16xf32>
        %add3A_536 = arith.constant 3 : i32
        %add3A_537 = arith.addi %mul3A_188, %add3A_536 : i32
        %swap3A_538 = arith.constant 0 : i32
        %swap3A_539 = arith.constant 0 : i32
        %swap3A_540 = tpu.memref_slice %arg7[%scan3A_164, %swap3A_538, %swap3A_539] : memref<2x128x64xf32, #tpu.memory_space<vmem>> -> memref<1x128x64xf32, #tpu.memory_space<vmem>>
        %swap3A_541 = tpu.memref_squeeze %swap3A_540 : memref<1x128x64xf32, #tpu.memory_space<vmem>> -> memref<128x64xf32, #tpu.memory_space<vmem>>
        %swap3A_542 = arith.index_cast %add3A_537 : i32 to index
        %swap3A_543 = arith.constant 32 : index
        %swap3A_544 = tpu.vector_load %swap3A_541[%swap3A_542, %swap3A_543] {strides = array<i32>} : memref<128x64xf32, #tpu.memory_space<vmem>>, vector<1x16xf32>,
        %swap3A_545 = vector.shape_cast %swap3A_544 : vector<1x16xf32> to vector<16xf32>
        %swap3A_546 = vector.shape_cast %mul3A_535 : vector<16xf32> to vector<1x16xf32>
        tpu.vector_store %swap3A_541[%swap3A_542, %swap3A_543], %swap3A_546 {strides = array<i32>} : memref<128x64xf32, #tpu.memory_space<vmem>>, vector<1x16xf32>,
        %add3A_547 = arith.constant 3 : i32
        %add3A_548 = arith.addi %mul3A_188, %add3A_547 : i32
        %get3A_549 = arith.constant 0 : i32
        %get3A_550 = arith.constant 0 : i32
        %get3A_551 = tpu.memref_slice %arg6[%scan3A_163, %get3A_549, %get3A_550] : memref<2x128x128xf32, #tpu.memory_space<vmem>> -> memref<1x128x128xf32, #tpu.memory_space<vmem>>
        %get3A_552 = tpu.memref_squeeze %get3A_551 : memref<1x128x128xf32, #tpu.memory_space<vmem>> -> memref<128x128xf32, #tpu.memory_space<vmem>>
        %get3A_553 = arith.index_cast %add3A_548 : i32 to index
        %get3A_554 = arith.constant 48 : index
        %get3A_555 = tpu.vector_load %get3A_552[%get3A_553, %get3A_554] {strides = array<i32>} : memref<128x128xf32, #tpu.memory_space<vmem>>, vector<1x16xf32>,
        %get3A_556 = vector.shape_cast %get3A_555 : vector<1x16xf32> to vector<16xf32>
        %mul3A_557 = arith.constant 8.000000e+00 : f32
        %mul3A_558 = vector.broadcast %mul3A_557 : f32 to vector<16xf32>
        %mul3A_559 = arith.mulf %get3A_556, %mul3A_558 : vector<16xf32>
        %add3A_560 = arith.constant 3 : i32
        %add3A_561 = arith.addi %mul3A_188, %add3A_560 : i32
        %swap3A_562 = arith.constant 0 : i32
        %swap3A_563 = arith.constant 0 : i32
        %swap3A_564 = tpu.memref_slice %arg7[%scan3A_164, %swap3A_562, %swap3A_563] : memref<2x128x64xf32, #tpu.memory_space<vmem>> -> memref<1x128x64xf32, #tpu.memory_space<vmem>>
        %swap3A_565 = tpu.memref_squeeze %swap3A_564 : memref<1x128x64xf32, #tpu.memory_space<vmem>> -> memref<128x64xf32, #tpu.memory_space<vmem>>
        %swap3A_566 = arith.index_cast %add3A_561 : i32 to index
        %swap3A_567 = arith.constant 48 : index
        %swap3A_568 = tpu.vector_load %swap3A_565[%swap3A_566, %swap3A_567] {strides = array<i32>} : memref<128x64xf32, #tpu.memory_space<vmem>>, vector<1x16xf32>,
        %swap3A_569 = vector.shape_cast %swap3A_568 : vector<1x16xf32> to vector<16xf32>
        %swap3A_570 = vector.shape_cast %mul3A_559 : vector<16xf32> to vector<1x16xf32>
        tpu.vector_store %swap3A_565[%swap3A_566, %swap3A_567], %swap3A_570 {strides = array<i32>} : memref<128x64xf32, #tpu.memory_space<vmem>>, vector<1x16xf32>,
      }
      %scan3A_169 = arith.constant 32 : i32
      %mul3A_170 = arith.constant 128 : i32
      %mul3A_171 = arith.muli %add3A_133, %mul3A_170 : i32
      %add3A_172 = arith.addi %mul3A_4, %mul3A_171 : i32
      %dma_start3A_173 = arith.constant 1 : i32
      %dma_start3A_174 = arith.constant 0 : i32
      %dma_start3A_175 = arith.constant 0 : i32
      %dma_start3A_176 = tpu.memref_slice %arg7[%dma_start3A_173, %dma_start3A_174, %dma_start3A_175] : memref<2x128x64xf32, #tpu.memory_space<vmem>> -> memref<1x128x64xf32, #tpu.memory_space<vmem>>
      %dma_start3A_177 = tpu.memref_squeeze %dma_start3A_176 : memref<1x128x64xf32, #tpu.memory_space<vmem>> -> memref<128x64xf32, #tpu.memory_space<vmem>>
      %dma_start3A_178 = arith.constant 0 : i32
      %dma_start3A_179 = tpu.memref_slice %arg4[%add3A_172, %dma_start3A_178] : memref<819200x64xf32, #tpu.memory_space<hbm>> -> memref<128x64xf32, #tpu.memory_space<hbm>>
      %dma_start3A_180 = arith.constant 0 : i32
      %dma_start3A_181 = tpu.memref_slice %arg4[%add3A_172, %dma_start3A_180] : memref<819200x64xf32, #tpu.memory_space<hbm>> -> memref<128x64xf32, #tpu.memory_space<hbm>>
      %dma_start3A_182 = arith.constant 0 : i32
      %dma_start3A_183 = arith.constant 0 : i32
      %dma_start3A_184 = tpu.memref_slice %arg7[%dma_start3A_173, %dma_start3A_182, %dma_start3A_183] : memref<2x128x64xf32, #tpu.memory_space<vmem>> -> memref<1x128x64xf32, #tpu.memory_space<vmem>>
      %dma_start3A_185 = tpu.memref_squeeze %dma_start3A_184 : memref<1x128x64xf32, #tpu.memory_space<vmem>> -> memref<128x64xf32, #tpu.memory_space<vmem>>
      tpu.enqueue_dma source(%dma_start3A_185 : memref<128x64xf32, #tpu.memory_space<vmem>>) target(%dma_start3A_181 : memref<128x64xf32, #tpu.memory_space<hbm>>) target_semaphore(%arg13 : memref<!tpu.dma_semaphore, #tpu.memory_space<semaphore_mem>>)
    }
    %scan3A_63 = arith.constant 100 : i32
    %dma_wait3A_64 = arith.constant 1 : i32
    %dma_wait3A_65 = arith.constant 0 : i32
    %dma_wait3A_66 = arith.constant 0 : i32
    %dma_wait3A_67 = tpu.memref_slice %arg7[%dma_wait3A_64, %dma_wait3A_65, %dma_wait3A_66] : memref<2x128x64xf32, #tpu.memory_space<vmem>> -> memref<1x128x64xf32, #tpu.memory_space<vmem>>
    %dma_wait3A_68 = tpu.memref_squeeze %dma_wait3A_67 : memref<1x128x64xf32, #tpu.memory_space<vmem>> -> memref<128x64xf32, #tpu.memory_space<vmem>>
    %dma_wait3A_69 = arith.constant 0 : i32
    %dma_wait3A_70 = tpu.memref_slice %arg4[%mul3A_4, %dma_wait3A_69] : memref<819200x64xf32, #tpu.memory_space<hbm>> -> memref<128x64xf32, #tpu.memory_space<hbm>>
    %dma_wait3A_71 = arith.constant 0 : i32
    %dma_wait3A_72 = tpu.memref_slice %arg4[%mul3A_4, %dma_wait3A_71] : memref<819200x64xf32, #tpu.memory_space<hbm>> -> memref<128x64xf32, #tpu.memory_space<hbm>>
    %dma_wait3A_73 = arith.constant 0 : i32
    %dma_wait3A_74 = arith.constant 0 : i32
    %dma_wait3A_75 = tpu.memref_slice %arg7[%dma_wait3A_64, %dma_wait3A_73, %dma_wait3A_74] : memref<2x128x64xf32, #tpu.memory_space<vmem>> -> memref<1x128x64xf32, #tpu.memory_space<vmem>>
    %dma_wait3A_76 = tpu.memref_squeeze %dma_wait3A_75 : memref<1x128x64xf32, #tpu.memory_space<vmem>> -> memref<128x64xf32, #tpu.memory_space<vmem>>
    tpu.wait_dma2 semaphore(%arg13 : memref<!tpu.dma_semaphore, #tpu.memory_space<semaphore_mem>>) src(%dma_wait3A_76 : memref<128x64xf32, #tpu.memory_space<vmem>>) dst(%dma_wait3A_72 : memref<128x64xf32, #tpu.memory_space<hbm>>)
    return
  }
}

</mosaic_0001>

<sc_bundles>
// kernel: kernel.3.cloned.1.call-start
scs
__scs_entry_jumppad:
0x0: {  	(pc) =	sbr.rel $0x88, $3  }
0x1: {  	(tag) =	ssettag $0x0;
	lr =	simm.s32 $0x1  }
0x2: {  	[smem:$0x3F9F] =	sst lr;
	_ =	strace $0xD0000000  }
0x3: {  	_ = 	snop  }
0x4: {  	_ = 	snop  }
0x5: {  	_ = 	snop  }
0x6: {  	_ = 	snop  }
0x7: {  	_ = 	snop  }
__scs_overlays_trampoline_lowered:
0x8: {  	[smem:$0x3FAE] =	sst s0  }
0x9: {  	[smem:$0x3FAF] =	sst s1  }
0xa: {  	[smem:$0x3FB0] =	sst s2  }
0xb: {  	[smem:$0x3FB1] =	sst s3  }
0xc: {  	[smem:$0x3FB2] =	sst s4  }
0xd: {  	[smem:$0x3FB3] =	sst s5  }
0xe: {  	[smem:$0x3FB4] =	sst s6  }
0xf: {  	[smem:$0x3FB5] =	sst s7  }
0x10: {  	[smem:$0x3FB6] =	sst s8  }
0x11: {  	[smem:$0x3FB7] =	sst s9;
	s0 =	simm.s32 @!p0 $0x0  }
0x12: {  	s1 =	sld [smem:$0x3F9D];
	s0 =	simm.s32 @p0 $0x1  }
0x13: {  	[smem:$0x3FB8] =	sst s0;
	s0 =	simm.s32 @!p1 $0x0  }
0x14: {  	s2 =	sld [smem:$0x3F9C];
	s0 =	simm.s32 @p1 $0x1  }
0x15: {  	[smem:$0x3FB9] =	sst s0;
	s0 =	simm.s32 @!p2 $0x0  }
0x16: {  	s3 =	sld [smem:$0x3FDB];
	s0 =	simm.s32 @p2 $0x1  }
0x17: {  	s4 =	simm.s32 $0x1BF5;
	[smem:$0x3FBB] =	sst s0  }
0x18: {  	s0 =	sld [smem:$0x3F9E];
	_ =	swait.ge [sflag:s4], $0x0  }
0x19: {  	s7 =	sld [smem:$0x3F9F]  }
0x1a: {  	s8 =	sadd.s32 $0xFFFFE003, lr  }
0x1b: {  	s9 =	sadd.s32 $0xFFFFFEF7, lr;
	s5 =	simm.s32 $0xFFFFFFFF;
	p2 =	slt.u32 s8, $0xFFFFF086  }
0x1c: {  	p1 =	slt.u32 s9, $0xF7A;
	s5 =	simm.s32 @!p2 $0x0  }
0x1d: {  	s5 =	simm.s32 @p1 $0x1;
	p0 =	seq.s32 s7, s2  }
0x1e: {  	s7 =	smul.u32 @!p0 $0xF7A, s2;
	p2 =	seq.s32 @!p0 s5, $0x0  }
0x1f: {  	s9 =	smul.u32 $0xF7A, s1;
	s8 =	simm.s32 @!p0 $0x1BF5;
	p2 =	por !p2, p0  }
0x20: {  	[sflag:s8] =	ssyncset.s32 @!p0 $0xFFFFF086;
	s6 =	sadd.s32 @!p0 s3, s7;
	s7 =	simm.s32 @!p0 $0x108  }
0x21: {  	s3 =	sadd.s32 s3, s9;
	s6 =	sadd.s32 @!p0 $0x88, s6;
	s7 =	simm.s32 @p2 $0x1082  }
0x22: {  	[simem:s7], [sflag:s8] =	dma.local @!p0 [hbm:s6], $0xF7A  }
0x23: {  	s9 =	sor.u32 $0xD0000000, s2;
	s6 =	simm.s32 $0x108;
	_ =	swait.ge @!p0 [sflag:s8], $0x0  }
0x24: {  	s3 =	sadd.s32 $0x88, s3;
	s6 =	simm.s32 @!p1 $0x1082;
	[sflag:s4] =	ssyncset.s32 $0xFFFFF086  }
0x25: {  	[simem:s6], [sflag:s4] =	dma.local [hbm:s3], $0xF7A  }
0x26: {  	[smem:$0x3F9F] =	sst s1;
	(tag) =	ssettag s2;
	_ =	strace s9  }
0x27: {  	s1 =	sld [smem:$0x3FAF]  }
0x28: {  	s2 =	sld [smem:$0x3FB0]  }
0x29: {  	s4 =	sld [smem:$0x3FB2]  }
0x2a: {  	p0 =	seq.s32 s5, $0x0;
	s5 =	sld [smem:$0x3FB3]  }
0x2b: {  	s6 =	sld [smem:$0x3FB4]  }
0x2c: {  	s7 =	sld [smem:$0x3FB5]  }
0x2d: {  	s3 =	simm.s32 $0x108;
	s8 =	sld [smem:$0x3FB6]  }
0x2e: {  	s3 =	simm.s32 @!p0 $0x1082;
	s9 =	sld [smem:$0x3FB7]  }
0x2f: {  	lr =	sadd.s32 s0, s3;
	s0 =	sld [smem:$0x3FAE]  }
0x30: {  	s3 =	sld [smem:$0x3FB1]  }
0x31: {  	[smem:$0x3FBA] =	sst s10  }
0x32: {  	s10 =	sld [smem:$0x3FB8];
	_ =	sdelay $0x3  }
0x33: {  	p0 =	seq.s32 s10, $0x1;
	s10 =	sld [smem:$0x3FBA];
	_ =	sdelay $0x3  }
0x34: {  	[smem:$0x3FBA] =	sst s10  }
0x35: {  	s10 =	sld [smem:$0x3FB9];
	_ =	sdelay $0x3  }
0x36: {  	p1 =	seq.s32 s10, $0x1;
	s10 =	sld [smem:$0x3FBA];
	_ =	sdelay $0x3  }
0x37: {  	[smem:$0x3FBA] =	sst s10  }
0x38: {  	s10 =	sld [smem:$0x3FBB]  }
0x39: {  	_ = 	snop;
	(pc) =	sbr.ind lr, $3  }
0x3a: {  	_ = 	snop  }
0x3b: {  	_ = 	snop  }
0x3c: {  	p2 =	seq.s32 s10, $0x1;
	s10 =	sld [smem:$0x3FBA]  }
0x3d: {  	_ =	shalt  }
0x3e: {  	_ =	shalt  }
0x3f: {  	_ =	shalt  }
0x40: {  	_ =	shalt  }
0x41: {  	_ =	shalt  }
0x42: {  	_ =	shalt  }
0x43: {  	_ =	shalt  }
0x44: {  	_ =	shalt  }
0x45: {  	_ =	shalt  }
0x46: {  	_ =	shalt  }
0x47: {  	_ =	shalt  }
0x48: {  	_ =	shalt  }
0x49: {  	_ =	shalt  }
0x4a: {  	_ =	shalt  }
0x4b: {  	_ =	shalt  }
0x4c: {  	_ =	shalt  }
0x4d: {  	_ =	shalt  }
0x4e: {  	_ =	shalt  }
0x4f: {  	_ =	shalt  }
0x50: {  	_ =	shalt  }
0x51: {  	_ =	shalt  }
0x52: {  	_ =	shalt  }
0x53: {  	_ =	shalt  }
0x54: {  	_ =	shalt  }
0x55: {  	_ =	shalt  }
0x56: {  	_ =	shalt  }
0x57: {  	_ =	shalt  }
0x58: {  	_ =	shalt  }
0x59: {  	_ =	shalt  }
0x5a: {  	_ =	shalt  }
0x5b: {  	_ =	shalt  }
0x5c: {  	_ =	shalt  }
0x5d: {  	_ =	shalt  }
0x5e: {  	_ =	shalt  }
0x5f: {  	_ =	shalt  }
0x60: {  	_ =	shalt  }
0x61: {  	_ =	shalt  }
0x62: {  	_ =	shalt  }
0x63: {  	_ =	shalt  }
0x64: {  	_ =	shalt  }
0x65: {  	_ =	shalt  }
0x66: {  	_ =	shalt  }
0x67: {  	_ =	shalt  }
0x68: {  	_ =	shalt  }
0x69: {  	_ =	shalt  }
0x6a: {  	_ =	shalt  }
0x6b: {  	_ =	shalt  }
0x6c: {  	_ =	shalt  }
0x6d: {  	_ =	shalt  }
0x6e: {  	_ =	shalt  }
0x6f: {  	_ =	shalt  }
0x70: {  	_ =	shalt  }
0x71: {  	_ =	shalt  }
0x72: {  	_ =	shalt  }
0x73: {  	_ =	shalt  }
0x74: {  	_ =	shalt  }
0x75: {  	_ =	shalt  }
0x76: {  	_ =	shalt  }
0x77: {  	_ =	shalt  }
0x78: {  	_ =	shalt  }
0x79: {  	_ =	shalt  }
0x7a: {  	_ =	shalt  }
0x7b: {  	_ =	shalt  }
0x7c: {  	_ =	shalt  }
0x7d: {  	_ =	shalt  }
0x7e: {  	_ =	shalt  }
0x7f: {  	_ =	shalt  }
0x80: {  	_ =	shalt  }
0x81: {  	_ =	shalt  }
0x82: {  	_ =	shalt  }
0x83: {  	_ =	shalt  }
0x84: {  	_ =	shalt  }
0x85: {  	_ =	shalt  }
0x86: {  	_ =	shalt  }
0x87: {  	_ =	shalt  }
.Lfunc_end0:
.L_simem_size_0:
called_computation.1_lowered:
.L_overlay_start_0:
0x88: {  	s2 =	sld [smem:$0x3FD9]  }
0x89: {  	s3 =	sld [smem:$0x3FFE];
	_ =	sdelay $0x1  }
0x8a: {  	s1 =	srdreg.scid  }
0x8b: {  	s0 =	sand.u32 $0x1, s1  }
0x8c: {  	s17 =	sshll.u32 s0, $0xA;
	s2 =	sadd.s32 s3, s2  }
0x8d: {  	s2 =	sadd.s32 s2, s17  }
0x8e: {  	[smem:$0x3FC6] =	sst s2  }
0x8f: {  	_ = 	snop  }
0x90: {  	s2 =	sld [smem:$0x3FD0];
	(tm) =	ssettm $0x1  }
0x91: {  	s18 =	sld [smem:$0x3FFB];
	_ =	sdelay $0x3  }
0x92: {  	_ =	strace s18  }
0x93: {  	s3 =	sld [smem:$0x3FFC];
	_ =	sdelay $0x3  }
0x94: {  	_ =	strace s3  }
0x95: {  	s3 =	sld [smem:$0x3FFD];
	_ =	sdelay $0x3  }
0x96: {  	_ =	strace s3  }
0x97: {  	_ =	strace $0x8FFFFFFF  }
0x98: {  	s19 =	sld [smem:$0x3FDB];
	_ =	sdelay $0x1  }
0x99: {  	s4 =	simm.s32 $_scs_section_size  }
0x9a: {  	s5 =	simm.s32 $_size__tile_overlayer_lowered;
	s6 =	simm.s32 $_tile_overlayer_lowered  }
0x9b: {  	s22 =	simm.s32 $0x1BFF;
	s21 =	sshll.u32 s6, $0x1;
	s3 =	sadd.s32 s4, s19  }
0x9c: {  	s7 =	simm.s32 $0x0;
	s20 =	sshll.u32 s5, $0x1;
	s5 =	sadd.s32 s21, s3  }
0x9d: {  	[timem:s7], [sflag:s22] =	dma.local [hbm:s5], s20  }
0x9e: {  	_ =	swait.ge [sflag:s22], s20  }
0x9f: {  	s4 =	ssub.s32 $0x0, s20;
	[sflag:s22] =	ssyncset.done $0x0  }
0xa0: {  	[sflag:s22] =	ssyncadd.s32 s4;
	_ =	sdelay $0x1  }
0xa1: {  	s23 =	simm.s32 $0x1B8B  }
0xa2: {  	_ =	swait.ge [sflag:s23], $0x1  }
0xa3: {  	[sflag:s23] =	ssyncset.done $0x0  }
0xa4: {  	s25 =	simm.s32 $0x1B8E;
	s24 =	sld [smem:$0x3FFE];
	[sflag:s23] =	ssyncadd.s32 $0xFFFFFFFF  }
0xa5: {  	s26 =	simm.s32 $execute0_lowered;
	[smem:$0x3FD2] =	sst s25  }
0xa6: {  	s5 =	sshll.u32 s26, $0x1;
	_ =	strace $0x80000046;
	[dreg:$0x1] =	wrdreg $0xFFFFFFFF  }
0xa7: {  	s28 =	simm.s32 $_size_execute0_lowered;
	s3 =	sadd.s32 s3, s5;
	[dreg:$0x0] =	wrdreg $0x0  }
0xa8: {  	s5 =	sshll.u32 s28, $0x1;
	[dreg:$0x2] =	wrdreg s3  }
0xa9: {  	[dreg:$0x3] =	wrdreg s5  }
0xaa: {  	[dreg:$0x4] =	wrdreg $0xC0  }
0xab: {  	_ =	task [dreg:s7], $0x5FFFF  }
0xac: {  	[dreg:$0x1] =	wrdreg $0xFFFFFFFF  }
0xad: {  	[dreg:$0x0] =	wrdreg $0x60  }
0xae: {  	[dreg:$0x2] =	wrdreg s24  }
0xaf: {  	[dreg:$0x3] =	wrdreg s2  }
0xb0: {  	[dreg:$0x4] =	wrdreg $0x9  }
0xb1: {  	_ =	task.clear_ibuf [dreg:s7], $0x5FFFF;
	_ =	strace $0x90000046  }
0xb2: {  	s29 =	simm.s32 $0x9;
	_ =	strace $0x80000048  }
0xb3: {  	_ =	swait.ge [sflag:s29], $0x1  }
0xb4: {  	[sflag:s29] =	ssyncadd.s32 $0xFFFFFFFF  }
0xb5: {  	_ =	strace $0x90000048  }
0xb6: {  	_ =	sfence  }
0xb7: {  	s30 =	sld [smem:$0x0];
	_ =	sdelay $0x2  }
0xb8: {  	s31 =	sshll.u32 s1, $0xD;
	s1 =	sshrl.u32 s1, $0x2  }
0xb9: {  	s3 =	sand.u32 $0x4000, s31;
	s1 =	sadd.s32 s1, s30  }
0xba: {  	s0 =	sor.u32 s3, s0;
	s1 =	sshll.u32 s1, $0x11  }
0xbb: {  	s0 =	sor.u32 s1, s0  }
0xbc: {  	s0 =	sadd.s32 $0x8F2B, s0  }
0xbd: {  	[sflag:s0] =	ssyncadd.remote.s32 $0x1  }
0xbe: {  	_ =	sfence.sel $0xFFFF  }
0xbf: {  	[dreg:$0x0] =	wrdreg $0xFFFFFFFF;
	(pc) =	sbr.abs _section_cstart, $3  }
0xc0: {  	[dreg:$0x1] =	wrdreg $0xFFFFFFFF  }
0xc1: {  	_ =	task.clear_ibuf [dreg:s7], $0x2FFFF;
	_ =	strace $0x9FFFFFFF  }
0xc2: {  	(tm) =	ssettm $0x7FFFFFFF  }
0xc3: {  	_ =	shalt  }
tec
execute0_lowered:
.L_overlay_start_1:
0x0: {  	(tag) =	ssettag $0x1  }
0x1: {  	s5 =	rddreg [dreg:$0x0]  }
0x2: {  	s2 =	rddreg [dreg:$0x1]  }
0x3: {  	s0 =	rddreg [dreg:$0x2];
	s4 =	srdreg.scid  }
0x4: {  	s1 =	stileid.u32;
	s3 =	simm.s32 $0x0;
	s11 =	simm.s32 $0x80  }
0x5: {  	s12 =	simm.s32 $0x1;
	s13 =	simm.s32 $0x100;
	s14 =	simm.s32 $0x3  }
0x6: {  	s15 =	simm.s32 $0x2;
	s16 =	simm.s32 $0x4100;
	s17 =	simm.s32 $0x8100  }
0x7: {  	s18 =	simm.s32 $0x4;
	s19 =	simm.s32 $0x5;
	s20 =	simm.s32 $0xC100  }
0x8: {  	s21 =	simm.s32 $0x6;
	s4 =	sand.u32 $0x1, s4;
	s6 =	sshll.u32 s1, $0x1  }
0x9: {  	s22 =	simm.s32 $0x0;
	[smem:$0x7FF] =	sst s3;
	s9 =	sor.u32 s4, s6  }
0xa: {  	_ =	strace $0x80000047;
	s31 =	ssub.s32 $0x2, s4;
	s7 =	smul.u32 $0xC80, s9  }
0xb: {  	s4 =	sadd.s32 $0xF42E00, s5;
	s5 =	sadd.s32 $0xA00, s5;
	s8 =	sshrl.u32 s31, $0x1  }
0xc: {  	s6 =	smul.u32 $0xC8, s9;
	s10 =	ssub.s32 s31, s8;
	s7 =	sadd.s32 s2, s7  }
0xd: {  	s9 =	smul.u32 $0x320000, s9;
	s10 =	smax.u32 s10, $0x1;
	s8 =	sadd.s32 $0x10, s7  }
.LBB2_1:
0xe: {  	[tilespmem:s3], [sflag:$0x1] =	stream.linear.gather [hbm4b:s7+s3], $0x80, $0x38;
	[tilespmem:$0x10100] =	vst v63  }
0xf: {  	_ = 	snop  }
0x10: {  	[tilespmem:s11], [sflag:$0x2] =	stream.linear.gather [hbm4b:s8+s3], $0x80, $0x38;
	[tilespmem:$0x10100] =	vst v63  }
0x11: {  	_ =	swait.ge [sflag:s12], $0x80  }
0x12: {  	[sflag:s12] =	ssyncset.done $0x0  }
0x13: {  	s23 =	simm.s32 $0x0;
	[sflag:s12] =	ssyncadd.s32 $0xFFFFFF80  }
0x14: {  	[tilespmem:s13], [sflag:$0x3] =	stream.indirect.gather [hbm4b:s4+s11], $0x80, s3, s11, $0xb8;
	[tilespmem:$0x10100] =	vst v63  }
.LBB2_2:
0x15: {  	s24 =	sshll.u32 s23, $0x1;
	p0 =	seq.s32 s23, $0x63  }
0x16: {  	_ =	swait.ge [sflag:s14], $0x4000;
	s25 =	sadd.s32 @!p0 $0x2, s24  }
0x17: {  	[sflag:s14] =	ssyncset.done $0x0;
	s26 =	sadd.s32 @!p0 s6, s25;
	s25 =	sshll.u32 @!p0 s25, $0x4  }
0x18: {  	p1 =	seq.s32 @!p0 s23, $0x0;
	s26 =	sshll.u32 @!p0 s26, $0x4;
	s25 =	sand.u32 @!p0 $0x60, s25  }
0x19: {  	[sflag:s14] =	ssyncadd.s32 $0xFFFFC000;
	s26 =	sand.u32 @!p0 $0xFFFFF80, s26;
	s25 =	sadd.s32 @!p0 s2, s25  }
0x1a: {  	p1 =	por p0, !p1;
	s25 =	sadd.s32 @!p0 s26, s25;
	s26 =	simm.s32 @!p0 $0x0  }
0x1b: {  	[tilespmem:s26], [sflag:$0x1] =	stream.linear.gather @!p0 [hbm4b:s25+s26], $0x80, $0x38;
	[tilespmem:$0x10100] =	vst v63  }
0x1c: {  	_ =	swait.ge @p1 [sflag:s21], $0x4000  }
0x1d: {  	[sflag:s21] =	ssyncset.done @p1 $0x0  }
0x1e: {  	[sflag:s21] =	ssyncadd.s32 @p1 $0xFFFFC000  }
0x1f: {  	_ =	swait.ge [sflag:s15], $0x80  }
0x20: {  	[sflag:s15] =	ssyncset.done $0x0  }
0x21: {  	s25 =	simm.s32 $0x0;
	[sflag:s15] =	ssyncadd.s32 $0xFFFFFF80  }
0x22: {  	[tilespmem:s16], [sflag:$0x4] =	stream.indirect.gather [hbm4b:s4+s11], $0x80, s11, s11, $0xb8;
	[tilespmem:$0x10100] =	vst v63  }
0x23: {  	v0 =	vld [tilespmem:s25+$0x2B0]  }
0x24: {  	v1 =	vld [tilespmem:s25+$0x100]  }
0x25: {  	v2 =	vld [tilespmem:s25+$0x110]  }
0x26: {  	v3 =	vld [tilespmem:s25+$0x120]  }
0x27: {  	v6 =	vld [tilespmem:s25+$0x190]  }
0x28: {  	v4 =	vld [tilespmem:s25+$0x130];
	v0 =	vmul.f32 $8.000000000e+00, v0  }
0x29: {  	v5 =	vld [tilespmem:s25+$0x180];
	v1 =	vmul.f32 $8.000000000e+00, v1  }
0x2a: {  	v7 =	vld [tilespmem:s25+$0x1A0];
	[tilespmem:s25+$0x82B0] =	vst v0;
	v0 =	vmul.f32 $8.000000000e+00, v2  }
0x2b: {  	v8 =	vld [tilespmem:s25+$0x1B0];
	[tilespmem:s25+$0x8100] =	vst v1;
	v1 =	vmul.f32 $8.000000000e+00, v3  }
0x2c: {  	v2 =	vmul.f32 $8.000000000e+00, v6;
	[tilespmem:s25+$0x8110] =	vst v0  }
0x2d: {  	v9 =	vld [tilespmem:s25+$0x200];
	v0 =	vmul.f32 $8.000000000e+00, v4;
	[tilespmem:s25+$0x8120] =	vst v1  }
0x2e: {  	v4 =	vld [tilespmem:s25+$0x210];
	v1 =	vmul.f32 $8.000000000e+00, v5;
	[tilespmem:s25+$0x8190] =	vst v2  }
0x2f: {  	v3 =	vmul.f32 $8.000000000e+00, v7;
	[tilespmem:s25+$0x8130] =	vst v0;
	v0 =	vld [tilespmem:s25+$0x220]  }
0x30: {  	v5 =	vmul.f32 $8.000000000e+00, v8;
	[tilespmem:s25+$0x8180] =	vst v1;
	v1 =	vld [tilespmem:s25+$0x230]  }
0x31: {  	v2 =	vld [tilespmem:s25+$0x280];
	[tilespmem:s25+$0x81A0] =	vst v3  }
0x32: {  	v3 =	vld [tilespmem:s25+$0x290];
	[tilespmem:s25+$0x81B0] =	vst v5;
	v5 =	vmul.f32 $8.000000000e+00, v9  }
0x33: {  	s28 =	simm.s32 $0x1000;
	s26 =	simm.s32 $0x200;
	v6 =	vmul.f32 $8.000000000e+00, v4;
	v4 =	vld [tilespmem:s25+$0x2A0]  }
.LBB2_3:
0x34: {  	p1 =	sne.s32 s28, $0xF800;
	v7 =	vld [tilespmem:s26+$0x2B0];
	[tilespmem:s25+$0x8200] =	vst v5;
	v0 =	vmul.f32 $8.000000000e+00, v0  }
0x35: {  	v5 =	vld [tilespmem:s26+$0x100];
	[tilespmem:s25+$0x8210] =	vst v6;
	v1 =	vmul.f32 $8.000000000e+00, v1  }
0x36: {  	v6 =	vld [tilespmem:s26+$0x110];
	[tilespmem:s25+$0x8220] =	vst v0;
	v0 =	vmul.f32 $8.000000000e+00, v2  }
0x37: {  	v2 =	vld [tilespmem:s26+$0x120];
	[tilespmem:s25+$0x8230] =	vst v1;
	v1 =	vmul.f32 $8.000000000e+00, v3  }
0x38: {  	v3 =	vld [tilespmem:s26+$0x130];
	[tilespmem:s25+$0x8280] =	vst v0;
	v0 =	vmul.f32 $8.000000000e+00, v4  }
0x39: {  	v4 =	vld [tilespmem:s26+$0x180];
	v7 =	vmul.f32 $8.000000000e+00, v7;
	[tilespmem:s25+$0x8290] =	vst v1  }
0x3a: {  	v1 =	vmul.f32 $8.000000000e+00, v5;
	v5 =	vld [tilespmem:s26+$0x190];
	[tilespmem:s25+$0x82A0] =	vst v0;
	s25 =	smov.u32 s26  }
0x3b: {  	v0 =	vmul.f32 $8.000000000e+00, v6;
	v6 =	vld [tilespmem:s25+$0x1A0];
	[tilespmem:s25+$0x82B0] =	vst v7  }
0x3c: {  	[tilespmem:s25+$0x8100] =	vst v1;
	v1 =	vmul.f32 $8.000000000e+00, v2;
	v2 =	vld [tilespmem:s25+$0x1B0]  }
0x3d: {  	[tilespmem:s25+$0x8110] =	vst v0;
	v0 =	vmul.f32 $8.000000000e+00, v3;
	v3 =	vld [tilespmem:s25+$0x200]  }
0x3e: {  	[tilespmem:s25+$0x8120] =	vst v1;
	v1 =	vmul.f32 $8.000000000e+00, v4;
	v4 =	vld [tilespmem:s25+$0x210]  }
.Ltmp0:
0x3f: {  	[tilespmem:s25+$0x8130] =	vst v0;
	v5 =	vmul.f32 $8.000000000e+00, v5;
	v0 =	vld [tilespmem:s25+$0x220];
	(pc) =	sbr.rel @p1 .LBB2_3-.Ltmp0, $4  }
0x40: {  	[tilespmem:s25+$0x8180] =	vst v1;
	v6 =	vmul.f32 $8.000000000e+00, v6;
	v1 =	vld [tilespmem:s25+$0x230]  }
0x41: {  	[tilespmem:s25+$0x8190] =	vst v5;
	v7 =	vmul.f32 $8.000000000e+00, v2;
	v2 =	vld [tilespmem:s25+$0x280]  }
0x42: {  	[tilespmem:s25+$0x81A0] =	vst v6;
	v5 =	vmul.f32 $8.000000000e+00, v3;
	v3 =	vld [tilespmem:s25+$0x290]  }
0x43: {  	s26 =	sshra.s32 s28, $0x2;
	s28 =	sadd.s32 $0x800, s28;
	[tilespmem:s25+$0x81B0] =	vst v7;
	v6 =	vmul.f32 $8.000000000e+00, v4;
	v4 =	vld [tilespmem:s25+$0x2A0]  }
0x44: {  	v7 =	vld [tilespmem:s26+$0x2B0];
	[tilespmem:s25+$0x8200] =	vst v5;
	v0 =	vmul.f32 $8.000000000e+00, v0  }
0x45: {  	v5 =	vld [tilespmem:s26+$0x100];
	[tilespmem:s25+$0x8210] =	vst v6;
	v1 =	vmul.f32 $8.000000000e+00, v1  }
0x46: {  	v6 =	vld [tilespmem:s26+$0x110];
	[tilespmem:s25+$0x8220] =	vst v0;
	v2 =	vmul.f32 $8.000000000e+00, v2  }
0x47: {  	v0 =	vld [tilespmem:s26+$0x120];
	[tilespmem:s25+$0x8230] =	vst v1;
	v3 =	vmul.f32 $8.000000000e+00, v3  }
0x48: {  	v1 =	vld [tilespmem:s26+$0x130];
	[tilespmem:s25+$0x8280] =	vst v2;
	v4 =	vmul.f32 $8.000000000e+00, v4  }
0x49: {  	v2 =	vld [tilespmem:s26+$0x180];
	[tilespmem:s25+$0x8290] =	vst v3;
	v7 =	vmul.f32 $8.000000000e+00, v7  }
0x4a: {  	v3 =	vld [tilespmem:s26+$0x190];
	[tilespmem:s25+$0x82A0] =	vst v4;
	v4 =	vmul.f32 $8.000000000e+00, v5  }
0x4b: {  	v5 =	vld [tilespmem:s26+$0x1A0];
	[tilespmem:s26+$0x82B0] =	vst v7;
	v6 =	vmul.f32 $8.000000000e+00, v6  }
0x4c: {  	[tilespmem:s26+$0x8100] =	vst v4;
	v4 =	vld [tilespmem:s26+$0x1B0];
	v0 =	vmul.f32 $8.000000000e+00, v0  }
0x4d: {  	[tilespmem:s26+$0x8110] =	vst v6;
	v6 =	vld [tilespmem:s26+$0x200];
	v1 =	vmul.f32 $8.000000000e+00, v1  }
0x4e: {  	[tilespmem:s26+$0x8120] =	vst v0;
	v0 =	vld [tilespmem:s26+$0x210];
	v2 =	vmul.f32 $8.000000000e+00, v2  }
0x4f: {  	[tilespmem:s26+$0x8130] =	vst v1;
	v1 =	vld [tilespmem:s26+$0x220];
	v3 =	vmul.f32 $8.000000000e+00, v3  }
0x50: {  	[tilespmem:s26+$0x8180] =	vst v2;
	v2 =	vld [tilespmem:s26+$0x230];
	v5 =	vmul.f32 $8.000000000e+00, v5  }
0x51: {  	[tilespmem:s26+$0x8190] =	vst v3;
	v3 =	vld [tilespmem:s26+$0x280];
	v4 =	vmul.f32 $8.000000000e+00, v4  }
0x52: {  	[tilespmem:s26+$0x81A0] =	vst v5;
	v5 =	vld [tilespmem:s26+$0x290];
	v6 =	vmul.f32 $8.000000000e+00, v6  }
0x53: {  	[tilespmem:s26+$0x81B0] =	vst v4;
	v0 =	vmul.f32 $8.000000000e+00, v0;
	v4 =	vld [tilespmem:s26+$0x2A0]  }
0x54: {  	[tilespmem:s26+$0x8200] =	vst v6;
	v1 =	vmul.f32 $8.000000000e+00, v1  }
0x55: {  	[tilespmem:s26+$0x8210] =	vst v0;
	v0 =	vmul.f32 $8.000000000e+00, v2  }
0x56: {  	[tilespmem:s26+$0x8220] =	vst v1;
	v1 =	vmul.f32 $8.000000000e+00, v3  }
0x57: {  	s31 =	sshll.u32 s23, $0xF;
	[tilespmem:s26+$0x8230] =	vst v0;
	v0 =	vmul.f32 $8.000000000e+00, v5  }
0x58: {  	s25 =	sadd.s32 s9, s31;
	[tilespmem:s26+$0x8280] =	vst v1;
	v1 =	vmul.f32 $8.000000000e+00, v4  }
0x59: {  	s25 =	sshrl.u32 s25, $0x3;
	[tilespmem:s26+$0x8290] =	vst v0  }
0x5a: {  	s25 =	sadd.s32 s5, s25;
	[tilespmem:s26+$0x82A0] =	vst v1  }
0x5b: {  	[hbm4b:s25+s3] =	stream.linear.scatter [tilespmem:s17], [sflag:$0x5], $0x4000, $0x38;
	[tilespmem:$0x10100] =	vst v63  }
0x5c: {  	s25 =	sadd.s32 @!p0 $0x3, s24  }
0x5d: {  	s28 =	simm.s32 @!p0 $0x80;
	s26 =	sadd.s32 @!p0 s6, s25;
	s25 =	sshll.u32 @!p0 s25, $0x4  }
0x5e: {  	_ =	swait.ge [sflag:s18], $0x4000;
	s26 =	sshll.u32 @!p0 s26, $0x4;
	s25 =	sand.u32 @!p0 $0x70, s25  }
0x5f: {  	[sflag:s18] =	ssyncset.done $0x0;
	s26 =	sand.u32 @!p0 $0xFFFFF80, s26;
	s25 =	sadd.s32 @!p0 s2, s25  }
0x60: {  	[sflag:s18] =	ssyncadd.s32 $0xFFFFC000;
	s25 =	sadd.s32 @!p0 s26, s25;
	s26 =	simm.s32 @!p0 $0x0  }
0x61: {  	[tilespmem:s28], [sflag:$0x2] =	stream.linear.gather @!p0 [hbm4b:s25+s26], $0x80, $0x38;
	[tilespmem:$0x10100] =	vst v63  }
0x62: {  	s24 =	sor.u32 $0x1, s24;
	_ =	swait.ge [sflag:s19], $0x4000  }
0x63: {  	p0 =	sgt.u32 s24, $0xC6;
	[sflag:s19] =	ssyncset.done $0x0  }
0x64: {  	s25 =	simm.s32 @!p0 $0x1;
	[sflag:s19] =	ssyncadd.s32 $0xFFFFC000  }
0x65: {  	_ =	swait.ge @!p0 [sflag:s25], $0x80  }
0x66: {  	s26 =	simm.s32 @!p0 $0x0;
	[sflag:s25] =	ssyncset.done @!p0 $0x0  }
0x67: {  	s28 =	simm.s32 @!p0 $0x100;
	[sflag:s25] =	ssyncadd.s32 @!p0 $0xFFFFFF80;
	s25 =	simm.s32 @!p0 $0x80  }
0x68: {  	[tilespmem:s28], [sflag:$0x3] =	stream.indirect.gather @!p0 [hbm4b:s4+s25], $0x80, s26, s25, $0xb8;
	[tilespmem:$0x10100] =	vst v63  }
0x69: {  	s25 =	simm.s32 $0x0  }
0x6a: {  	v0 =	vld [tilespmem:s25+$0x42B0]  }
0x6b: {  	v1 =	vld [tilespmem:s25+$0x4100]  }
0x6c: {  	v2 =	vld [tilespmem:s25+$0x4110]  }
0x6d: {  	v3 =	vld [tilespmem:s25+$0x4120]  }
0x6e: {  	v6 =	vld [tilespmem:s25+$0x4190]  }
0x6f: {  	v4 =	vld [tilespmem:s25+$0x4130];
	v0 =	vmul.f32 $8.000000000e+00, v0  }
0x70: {  	v5 =	vld [tilespmem:s25+$0x4180];
	v1 =	vmul.f32 $8.000000000e+00, v1  }
0x71: {  	v7 =	vld [tilespmem:s25+$0x41A0];
	[tilespmem:s25+$0xC2B0] =	vst v0;
	v0 =	vmul.f32 $8.000000000e+00, v2  }
0x72: {  	v8 =	vld [tilespmem:s25+$0x41B0];
	[tilespmem:s25+$0xC100] =	vst v1;
	v1 =	vmul.f32 $8.000000000e+00, v3  }
0x73: {  	v2 =	vmul.f32 $8.000000000e+00, v6;
	[tilespmem:s25+$0xC110] =	vst v0  }
0x74: {  	v9 =	vld [tilespmem:s25+$0x4200];
	v0 =	vmul.f32 $8.000000000e+00, v4;
	[tilespmem:s25+$0xC120] =	vst v1  }
0x75: {  	v4 =	vld [tilespmem:s25+$0x4210];
	v1 =	vmul.f32 $8.000000000e+00, v5;
	[tilespmem:s25+$0xC190] =	vst v2  }
0x76: {  	v3 =	vmul.f32 $8.000000000e+00, v7;
	[tilespmem:s25+$0xC130] =	vst v0;
	v0 =	vld [tilespmem:s25+$0x4220]  }
0x77: {  	v5 =	vmul.f32 $8.000000000e+00, v8;
	[tilespmem:s25+$0xC180] =	vst v1;
	v1 =	vld [tilespmem:s25+$0x4230]  }
0x78: {  	v2 =	vld [tilespmem:s25+$0x4280];
	[tilespmem:s25+$0xC1A0] =	vst v3  }
0x79: {  	v3 =	vld [tilespmem:s25+$0x4290];
	[tilespmem:s25+$0xC1B0] =	vst v5;
	v5 =	vmul.f32 $8.000000000e+00, v9  }
0x7a: {  	s26 =	simm.s32 $0x200;
	s28 =	simm.s32 $0x1000;
	v6 =	vmul.f32 $8.000000000e+00, v4;
	v4 =	vld [tilespmem:s25+$0x42A0]  }
.LBB2_5:
0x7b: {  	p0 =	sne.s32 s28, $0xF800;
	v7 =	vld [tilespmem:s26+$0x42B0];
	[tilespmem:s25+$0xC200] =	vst v5;
	v0 =	vmul.f32 $8.000000000e+00, v0  }
0x7c: {  	v5 =	vld [tilespmem:s26+$0x4100];
	[tilespmem:s25+$0xC210] =	vst v6;
	v1 =	vmul.f32 $8.000000000e+00, v1  }
0x7d: {  	v6 =	vld [tilespmem:s26+$0x4110];
	[tilespmem:s25+$0xC220] =	vst v0;
	v0 =	vmul.f32 $8.000000000e+00, v2  }
0x7e: {  	v2 =	vld [tilespmem:s26+$0x4120];
	[tilespmem:s25+$0xC230] =	vst v1;
	v1 =	vmul.f32 $8.000000000e+00, v3  }
0x7f: {  	v3 =	vld [tilespmem:s26+$0x4130];
	[tilespmem:s25+$0xC280] =	vst v0;
	v0 =	vmul.f32 $8.000000000e+00, v4  }
0x80: {  	v4 =	vld [tilespmem:s26+$0x4180];
	v7 =	vmul.f32 $8.000000000e+00, v7;
	[tilespmem:s25+$0xC290] =	vst v1  }
0x81: {  	v1 =	vmul.f32 $8.000000000e+00, v5;
	v5 =	vld [tilespmem:s26+$0x4190];
	[tilespmem:s25+$0xC2A0] =	vst v0;
	s25 =	smov.u32 s26  }
0x82: {  	v0 =	vmul.f32 $8.000000000e+00, v6;
	v6 =	vld [tilespmem:s25+$0x41A0];
	[tilespmem:s25+$0xC2B0] =	vst v7  }
0x83: {  	[tilespmem:s25+$0xC100] =	vst v1;
	v1 =	vmul.f32 $8.000000000e+00, v2;
	v2 =	vld [tilespmem:s25+$0x41B0]  }
0x84: {  	[tilespmem:s25+$0xC110] =	vst v0;
	v0 =	vmul.f32 $8.000000000e+00, v3;
	v3 =	vld [tilespmem:s25+$0x4200]  }
0x85: {  	[tilespmem:s25+$0xC120] =	vst v1;
	v1 =	vmul.f32 $8.000000000e+00, v4;
	v4 =	vld [tilespmem:s25+$0x4210]  }
.Ltmp1:
0x86: {  	[tilespmem:s25+$0xC130] =	vst v0;
	v5 =	vmul.f32 $8.000000000e+00, v5;
	v0 =	vld [tilespmem:s25+$0x4220];
	(pc) =	sbr.rel @p0 .LBB2_5-.Ltmp1, $4  }
0x87: {  	[tilespmem:s25+$0xC180] =	vst v1;
	v6 =	vmul.f32 $8.000000000e+00, v6;
	v1 =	vld [tilespmem:s25+$0x4230]  }
0x88: {  	[tilespmem:s25+$0xC190] =	vst v5;
	v7 =	vmul.f32 $8.000000000e+00, v2;
	v2 =	vld [tilespmem:s25+$0x4280]  }
0x89: {  	[tilespmem:s25+$0xC1A0] =	vst v6;
	v5 =	vmul.f32 $8.000000000e+00, v3;
	v3 =	vld [tilespmem:s25+$0x4290]  }
0x8a: {  	s26 =	sshra.s32 s28, $0x2;
	s28 =	sadd.s32 $0x800, s28;
	[tilespmem:s25+$0xC1B0] =	vst v7;
	v6 =	vmul.f32 $8.000000000e+00, v4;
	v4 =	vld [tilespmem:s25+$0x42A0]  }
0x8b: {  	v7 =	vld [tilespmem:s26+$0x42B0];
	[tilespmem:s25+$0xC200] =	vst v5;
	v0 =	vmul.f32 $8.000000000e+00, v0  }
0x8c: {  	v5 =	vld [tilespmem:s26+$0x4100];
	[tilespmem:s25+$0xC210] =	vst v6;
	v1 =	vmul.f32 $8.000000000e+00, v1  }
0x8d: {  	v6 =	vld [tilespmem:s26+$0x4110];
	[tilespmem:s25+$0xC220] =	vst v0;
	v2 =	vmul.f32 $8.000000000e+00, v2  }
0x8e: {  	v0 =	vld [tilespmem:s26+$0x4120];
	[tilespmem:s25+$0xC230] =	vst v1;
	v3 =	vmul.f32 $8.000000000e+00, v3  }
0x8f: {  	v1 =	vld [tilespmem:s26+$0x4130];
	[tilespmem:s25+$0xC280] =	vst v2;
	v4 =	vmul.f32 $8.000000000e+00, v4  }
0x90: {  	v2 =	vld [tilespmem:s26+$0x4180];
	[tilespmem:s25+$0xC290] =	vst v3;
	v7 =	vmul.f32 $8.000000000e+00, v7  }
0x91: {  	v3 =	vld [tilespmem:s26+$0x4190];
	[tilespmem:s25+$0xC2A0] =	vst v4;
	v50 =	vmul.f32 $8.000000000e+00, v5  }
0x92: {  	v51 =	vld [tilespmem:s26+$0x41A0];
	[tilespmem:s26+$0xC2B0] =	vst v7;
	v6 =	vmul.f32 $8.000000000e+00, v6  }
0x93: {  	v52 =	vld [tilespmem:s26+$0x41B0];
	[tilespmem:s26+$0xC100] =	vst v50;
	v0 =	vmul.f32 $8.000000000e+00, v0  }
0x94: {  	v53 =	vld [tilespmem:s26+$0x4200];
	[tilespmem:s26+$0xC110] =	vst v6;
	v1 =	vmul.f32 $8.000000000e+00, v1  }
0x95: {  	v54 =	vld [tilespmem:s26+$0x4210];
	[tilespmem:s26+$0xC120] =	vst v0;
	v2 =	vmul.f32 $8.000000000e+00, v2  }
0x96: {  	v55 =	vld [tilespmem:s26+$0x4220];
	[tilespmem:s26+$0xC130] =	vst v1;
	v3 =	vmul.f32 $8.000000000e+00, v3  }
0x97: {  	v56 =	vld [tilespmem:s26+$0x4230];
	[tilespmem:s26+$0xC180] =	vst v2;
	v5 =	vmul.f32 $8.000000000e+00, v51  }
0x98: {  	v57 =	vld [tilespmem:s26+$0x4280];
	v4 =	vmul.f32 $8.000000000e+00, v52;
	[tilespmem:s26+$0xC190] =	vst v3  }
0x99: {  	v58 =	vld [tilespmem:s26+$0x4290];
	v6 =	vmul.f32 $8.000000000e+00, v53;
	[tilespmem:s26+$0xC1A0] =	vst v5  }
0x9a: {  	v59 =	vld [tilespmem:s26+$0x42A0];
	v0 =	vmul.f32 $8.000000000e+00, v54;
	[tilespmem:s26+$0xC1B0] =	vst v4  }
0x9b: {  	v1 =	vmul.f32 $8.000000000e+00, v55;
	[tilespmem:s26+$0xC200] =	vst v6  }
0x9c: {  	s23 =	sadd.s32 $0x1, s23;
	v60 =	vmul.f32 $8.000000000e+00, v56;
	[tilespmem:s26+$0xC210] =	vst v0  }
0x9d: {  	p0 =	sne.s32 s23, $0x64;
	v61 =	vmul.f32 $8.000000000e+00, v57;
	[tilespmem:s26+$0xC220] =	vst v1  }
.Ltmp2:
0x9e: {  	s24 =	sshll.u32 s24, $0xE;
	v62 =	vmul.f32 $8.000000000e+00, v58;
	[tilespmem:s26+$0xC230] =	vst v60;
	(pc) =	sbr.rel @p0 .LBB2_2-.Ltmp2, $4  }
0x9f: {  	s24 =	sadd.s32 s9, s24;
	v63 =	vmul.f32 $8.000000000e+00, v59;
	[tilespmem:s26+$0xC280] =	vst v61  }
0xa0: {  	s24 =	sshrl.u32 s24, $0x3;
	[tilespmem:s26+$0xC290] =	vst v62  }
0xa1: {  	s24 =	sadd.s32 s5, s24;
	[tilespmem:s26+$0xC2A0] =	vst v63  }
0xa2: {  	[hbm4b:s24+s3] =	stream.linear.scatter [tilespmem:s20], [sflag:$0x6], $0x4000, $0x38;
	[tilespmem:$0x10100] =	vst v63  }
0xa3: {  	s22 =	sadd.s32 $0x1, s22  }
0xa4: {  	p0 =	sne.s32 s22, s10  }
.Ltmp3:
0xa5: {  	_ = 	snop;
	(pc) =	sbr.rel @p0 .LBB2_1-.Ltmp3, $4  }
0xa6: {  	_ = 	snop  }
0xa7: {  	_ =	swait.ge [sflag:s21], $0x4000  }
0xa8: {  	[sflag:s21] =	ssyncset.done $0x0  }
0xa9: {  	[sflag:s21] =	ssyncadd.s32 $0xFFFFC000  }
0xaa: {  	_ =	sfence.sel $0x180000  }
0xab: {  	[bflag:$0x0] =	sbarrier.arrive $0xFFFF  }
0xac: {  	p0 =	sne.s32 s1, $0x0;
	_ =	strace $0x90000047  }
0xad: {  	s0 =	sadd.s32 @!p0 $0x100000, s0;
	[bflag:$0x2] =	sbarrier.arrive $0xFFFF  }
0xae: {  	[sflag:s0] =	ssyncadd.tile.s32 @!p0 $0x1;
	_ =	shalt  }
.Lfunc_end2:
_tile_overlayer_lowered:
.L_overlay_start_2:
0xaf: {  	(tag) =	ssettag $0x2  }
0xb0: {  	s0 =	rddreg [dreg:$0x0];
	s2 =	stileid.u32  }
0xb1: {  	s1 =	rddreg [dreg:$0x1];
	p0 =	sne.s32 s2, $0x0  }
0xb2: {  	s3 =	rddreg [dreg:$0x2];
	[bflag:$0x3] =	sbarrier.arrive $0xFFFF;
	s2 =	simm.s32 @!p0 $0x1C07  }
0xb3: {  	[timem:s3], [sflag:s2] =	dma.local @!p0 [hbm:s0], s1  }
0xb4: {  	s0 =	simm.s32 @!p0 $0x7  }
0xb5: {  	_ =	swait.ge @!p0 [sflag:s0], s1  }
0xb6: {  	s1 =	ssub.s32 @!p0 $0x0, s1;
	[sflag:s0] =	ssyncset.done @!p0 $0x0  }
0xb7: {  	[sflag:s0] =	ssyncadd.s32 @!p0 s1  }
0xb8: {  	[bflag:$0x3] =	sbarrier.arrive $0xFFFF  }
0xb9: {  	_ =	shalt  }

// kernel: sparse-core-data-format-call.cloned.1.call-start
scs
called_computation_lowered:
.L_overlay_start_0:
0x0: {  	s2 =	sld [smem:$0x3FD9]  }
0x1: {  	s3 =	sld [smem:$0x3FFE];
	_ =	sdelay $0x1  }
0x2: {  	s1 =	srdreg.scid  }
0x3: {  	s0 =	sand.u32 $0x1, s1  }
0x4: {  	s18 =	sshll.u32 s0, $0xA;
	s2 =	sadd.s32 s3, s2  }
0x5: {  	s2 =	sadd.s32 s2, s18  }
0x6: {  	[smem:$0x3FC6] =	sst s2  }
0x7: {  	_ = 	snop  }
0x8: {  	s2 =	sld [smem:$0x3FD0];
	(tm) =	ssettm $0x1  }
0x9: {  	s19 =	sld [smem:$0x3FFB];
	_ =	sdelay $0x3  }
0xa: {  	_ =	strace s19  }
0xb: {  	s3 =	sld [smem:$0x3FFC];
	_ =	sdelay $0x3  }
0xc: {  	_ =	strace s3  }
0xd: {  	s3 =	sld [smem:$0x3FFD];
	_ =	sdelay $0x3  }
0xe: {  	_ =	strace s3  }
0xf: {  	_ =	strace $0x8FFFFFFF  }
0x10: {  	s20 =	sld [smem:$0x3FDB];
	_ =	sdelay $0x1  }
0x11: {  	s4 =	simm.s32 $_scs_section_size  }
0x12: {  	s5 =	simm.s32 $_size__tile_overlayer_lowered;
	s6 =	simm.s32 $_tile_overlayer_lowered  }
0x13: {  	s23 =	simm.s32 $0x1BFF;
	s22 =	sshll.u32 s6, $0x1;
	s3 =	sadd.s32 s4, s20  }
0x14: {  	s7 =	simm.s32 $0x0;
	s21 =	sshll.u32 s5, $0x1;
	s5 =	sadd.s32 s22, s3  }
0x15: {  	[timem:s7], [sflag:s23] =	dma.local [hbm:s5], s21  }
0x16: {  	_ =	swait.ge [sflag:s23], s21  }
0x17: {  	s4 =	ssub.s32 $0x0, s21;
	[sflag:s23] =	ssyncset.done $0x0  }
0x18: {  	[sflag:s23] =	ssyncadd.s32 s4;
	_ =	sdelay $0x1  }
0x19: {  	s24 =	simm.s32 $0x1B8B  }
0x1a: {  	_ =	swait.ge [sflag:s24], $0x1  }
0x1b: {  	[sflag:s24] =	ssyncset.done $0x0  }
0x1c: {  	s26 =	simm.s32 $0x1B8E;
	s25 =	sld [smem:$0x3FFE];
	[sflag:s24] =	ssyncadd.s32 $0xFFFFFFFF  }
0x1d: {  	s27 =	simm.s32 $execute0_lowered;
	[smem:$0x3FD2] =	sst s26  }
0x1e: {  	s5 =	sshll.u32 s27, $0x1;
	_ =	strace $0x80000049;
	[dreg:$0x1] =	wrdreg $0xFFFFFFFF  }
0x1f: {  	s28 =	simm.s32 $_size_execute0_lowered;
	s3 =	sadd.s32 s3, s5;
	[dreg:$0x0] =	wrdreg $0x0  }
0x20: {  	s5 =	sshll.u32 s28, $0x1;
	[dreg:$0x2] =	wrdreg s3  }
0x21: {  	[dreg:$0x3] =	wrdreg s5  }
0x22: {  	[dreg:$0x4] =	wrdreg $0xC0  }
0x23: {  	_ =	task [dreg:s7], $0x5FFFF  }
0x24: {  	[dreg:$0x1] =	wrdreg $0xFFFFFFFF  }
0x25: {  	[dreg:$0x0] =	wrdreg $0x60  }
0x26: {  	[dreg:$0x2] =	wrdreg s25  }
0x27: {  	[dreg:$0x3] =	wrdreg s2  }
0x28: {  	[dreg:$0x4] =	wrdreg $0x9  }
0x29: {  	_ =	task.clear_ibuf [dreg:s7], $0x5FFFF;
	_ =	strace $0x90000049  }
0x2a: {  	s29 =	simm.s32 $0x9;
	_ =	strace $0x8000004B  }
0x2b: {  	_ =	swait.ge [sflag:s29], $0x1  }
0x2c: {  	[sflag:s29] =	ssyncadd.s32 $0xFFFFFFFF  }
0x2d: {  	_ =	strace $0x9000004B  }
0x2e: {  	_ =	sfence  }
0x2f: {  	s30 =	sld [smem:$0x0];
	_ =	sdelay $0x2  }
0x30: {  	s31 =	sshll.u32 s1, $0xD;
	s1 =	sshrl.u32 s1, $0x2  }
0x31: {  	s3 =	sand.u32 $0x4000, s31;
	s1 =	sadd.s32 s1, s30  }
0x32: {  	s0 =	sor.u32 s3, s0;
	s1 =	sshll.u32 s1, $0x11  }
0x33: {  	s0 =	sor.u32 s1, s0  }
0x34: {  	s0 =	sadd.s32 $0x8F2B, s0  }
0x35: {  	[sflag:s0] =	ssyncadd.remote.s32 $0x1  }
0x36: {  	_ =	sfence.sel $0xFFFF  }
0x37: {  	[dreg:$0x0] =	wrdreg $0xFFFFFFFF;
	(pc) =	sbr.abs _section_cstart, $3  }
0x38: {  	[dreg:$0x1] =	wrdreg $0xFFFFFFFF  }
0x39: {  	_ =	task.clear_ibuf [dreg:s7], $0x2FFFF;
	_ =	strace $0x9FFFFFFF  }
0x3a: {  	(tm) =	ssettm $0x7FFFFFFF  }
0x3b: {  	_ =	shalt  }
tec
execute0_lowered:
.L_overlay_start_1:
0x0: {  	(tag) =	ssettag $0x1  }
0x1: {  	s0 =	srdreg.scid  }
0x2: {  	s1 =	sshll.u32 s0, $0x4  }
0x3: {  	s0 =	stileid.u32;
	s1 =	sand.u32 $0x10, s1  }
0x4: {  	s1 =	sor.u32 s0, s1  }
0x5: {  	s6 =	rddreg [dreg:$0x0];
	s4 =	simm.s32 $0x1;
	s2 =	sshll.u32 s1, $0x7  }
0x6: {  	s7 =	simm.s32 $0x2;
	s12 =	simm.s32 $0x0;
	s1 =	ssub.s32 $0x1000, s2  }
0x7: {  	s8 =	simm.s32 $0x8000;
	s13 =	simm.s32 $0x0;
	s3 =	sand.u32 $0xF80, s1  }
0x8: {  	s9 =	simm.s32 $0x0;
	s5 =	sshrl.u32 s1, $0xC;
	p0 =	sne.s32 s3, $0x0  }
.Ltmp0:
0x9: {  	s1 =	rddreg [dreg:$0x2];
	s4 =	simm.s32 @!p0 $0x0;
	(pc) =	sbr.rel .LBB1_1-.Ltmp0, $4  }
0xa: {  	s11 =	simm.s32 $0x0;
	s3 =	rddreg [dreg:$0x1];
	s5 =	sadd.s32 s4, s5  }
0xb: {  	_ =	strace $0x8000004A;
	s4 =	simm.s32 $0x1;
	s5 =	smul.u32 $0xC8, s5  }
0xc: {  	s6 =	sadd.s32 $0xA00, s6;
	s10 =	smov.u32 s2;
	[sflag:s4] =	ssyncpa.u1 $0x0  }
0xd: {  	p0 =	por $0x0, $0x0;
	[sflag:s7] =	ssyncpa.u1 $0x0;
	s7 =	sor.u32 $0x1, s5  }
.LBB1_4:
0xe: {  	s16 =	sshll.u32 s13, $0x3;
	s17 =	sand.u32 $0x78, s13  }
0xf: {  	s30 =	sand.u32 $0x7E00, s13;
	s12 =	sshll.u32 s12, $0xF;
	s16 =	sand.u32 $0xC00, s16  }
0x10: {  	[tilespmem:s15+$0x810 ss:$0x81] =	vst.msk $0xffff, v2;
	s31 =	sand.u32 $0x7, s13;
	s16 =	sor.u32 s17, s16;
	s17 =	sadd.s32 s3, s30  }
0x11: {  	[tilespmem:s15+$0x1020 ss:$0x81] =	vst.msk $0xffff, v0;
	s13 =	sshll.u32 s31, $0x12;
	s12 =	sadd.s32 s12, s17;
	s16 =	sshrl.u32 s16, $0x3  }
0x12: {  	[tilespmem:s15+$0x0 ss:$0x81] =	vst.msk $0xffff, v1;
	s13 =	sor.u32 $0x400, s13;
	s12 =	sadd.s32 s16, s12  }
0x13: {  	[hbm4b:s12+s13] =	stream.strided.scatter [tilespmem:s14], [sflag:$0x2], $0x2000, s8, s13, $0x20;
	[tilespmem:$0x8080] =	vst v63  }
.LBB1_5:
0x14: {  	s14 =	sadd.s32 $0x1, s9  }
0x15: {  	s12 =	sadd.s32 $0x1000, s10;
	s16 =	smov.u32 s10;
	p2 =	sgt.s32 s14, $0xC7  }
0x16: {  	s16 =	smov.u32 @p2 s12  }
0x17: {  	s14 =	simm.s32 @p2 $0x0;
	p2 =	sgt.s32 s16, $0xFFF  }
0x18: {  	s16 =	smov.u32 @p2 s2;
	p2 =	sne.s32 s11, s7  }
.Ltmp1:
0x19: {  	p1 =	slt.u32 s11, $0x2;
	(pc) =	sbr.rel @!p2 .LBB1_6-.Ltmp1, $4  }
0x1a: {  	s15 =	simm.s32 @!p1 $0x2  }
0x1b: {  	s13 =	smov.u32 s10;
	p0 =	por !p0, !p0;
	_ =	swait.ge @!p1 [sflag:s15], $0x2000  }
0x1c: {  	s12 =	smov.u32 s9;
	[sflag:s15] =	ssyncset.done @!p1 $0x0;
	s9 =	smov.u32 s14  }
0x1d: {  	s11 =	sadd.s32 $0x1, s11;
	[sflag:s15] =	ssyncadd.s32 @!p1 $0xFFFFE000;
	s10 =	smov.u32 s16  }
.LBB1_1:
0x1e: {  	p1 =	sge.u32 s11, s5  }
0x1f: {  	s14 =	sand.u32 @!p1 $0x1FFFFFF, s9  }
0x20: {  	s15 =	smulhi.u32 @!p1 $0x147AE15, s14;
	_ =	sdelay $0x1  }
0x21: {  	s15 =	smul.u32 @!p1 $0xC8, s15  }
0x22: {  	s16 =	sxor.u32 @!p1 $0xFFFFFFFF, s11;
	s17 =	smul.u32 @!p1 $0xC80, s10  }
0x23: {  	s31 =	sadd.s32 $0xFFFFFFFF, s11;
	s16 =	sshll.u32 @!p1 s16, $0xD;
	s14 =	ssub.s32 @!p1 s14, s15  }
0x24: {  	s15 =	sand.u32 @!p1 $0x2000, s16;
	s16 =	sadd.s32 @!p1 s6, s17;
	s14 =	sshll.u32 @!p1 s14, $0x4  }
0x25: {  	s17 =	simm.s32 @!p1 $0x6400;
	s14 =	sadd.s32 @!p1 s14, s16;
	s16 =	simm.s32 @!p1 $0x40  }
0x26: {  	[tilespmem:s15], [sflag:$0x1] =	stream.strided.gather @!p1 [hbm4b:s14+s16], $0x2000, s17, s16, $0x38;
	[tilespmem:$0x8080] =	vst v63  }
0x27: {  	p1 =	sge.u32 s31, s5  }
.Ltmp2:
0x28: {  	_ = 	snop;
	(pc) =	sbr.rel @p1 .LBB1_5-.Ltmp2, $1  }
0x29: {  	_ =	sdelay $0x3  }
0x2a: {  	s14 =	simm.s32 $0x1  }
0x2b: {  	_ =	swait.ge [sflag:s4], $0x2000;
	s14 =	simm.s32 @!p0 $0x0  }
0x2c: {  	[sflag:s4] =	ssyncset.done $0x0;
	s15 =	sshll.u32 s14, $0xD  }
0x2d: {  	[sflag:s4] =	ssyncadd.s32 $0xFFFFE000;
	s18 =	sor.u32 $0x20, s15  }
0x2e: {  	s14 =	smul.u32 $0x8100, s14;
	v3 =	vld [tilespmem:s18+$0x10]  }
0x2f: {  	s30 =	sand.u32 $0x1, s11;
	v2 =	vld [tilespmem:s18+$0xFFFFFFF0]  }
0x30: {  	s15 =	smul.u32 $0x8100, s30;
	s14 =	sshrl.u32 s14, $0x2;
	v0 =	vld [tilespmem:s18+$0x0]  }
0x31: {  	v1 =	vld [tilespmem:s18+$0xFFFFFFE0];
	s16 =	sor.u32 $0x4000, s14  }
0x32: {  	s31 =	sshrl.u32 s15, $0x2;
	s15 =	sadd.s32 $0x0, s16  }
0x33: {  	s17 =	simm.s32 $0x4;
	s18 =	sadd.s32 $0x40, s18;
	s14 =	sor.u32 $0x4000, s31;
	[tilespmem:s15+$0x1830 ss:$0x81] =	vst.msk $0xffff, v3  }
.LBB1_3:
0x34: {  	v3 =	vld [tilespmem:s18+$0x10];
	p1 =	sne.s32 s17, $0x1FC;
	[tilespmem:s15+$0x810 ss:$0x81] =	vst.msk $0xffff, v2;
	s19 =	smov.u32 s17;
	s17 =	sadd.s32 $0x4, s17  }
.Ltmp3:
0x35: {  	v2 =	vld [tilespmem:s18+$0xFFFFFFF0];
	[tilespmem:s15+$0x1020 ss:$0x81] =	vst.msk $0xffff, v0;
	(pc) =	sbr.rel @p1 .LBB1_3-.Ltmp3, $4  }
0x36: {  	v0 =	vld [tilespmem:s18+$0x0];
	[tilespmem:s15+$0x0 ss:$0x81] =	vst.msk $0xffff, v1  }
0x37: {  	s15 =	sshra.s32 s19, $0x2;
	v1 =	vld [tilespmem:s18+$0xFFFFFFE0]  }
0x38: {  	s15 =	sadd.s32 s15, s16  }
0x39: {  	s18 =	sadd.s32 $0x40, s18;
	[tilespmem:s15+$0x1830 ss:$0x81] =	vst.msk $0xffff, v3  }
.Ltmp4:
0x3a: {  	_ = 	snop;
	(pc) =	sbr.rel .LBB1_4-.Ltmp4, $1  }
0x3b: {  	_ =	sdelay $0x3  }
.LBB1_6:
0x3c: {  	_ =	sfence.sel $0x180000  }
0x3d: {  	s2 =	simm.s32 $0x1;
	[bflag:$0x0] =	sbarrier.arrive $0xFFFF  }
0x3e: {  	s31 =	simm.s32 $0x2;
	[sflag:s2] =	ssyncpa.u1 $0x1  }
0x3f: {  	[sflag:s31] =	ssyncpa.u1 $0x1  }
0x40: {  	p0 =	sne.s32 s0, $0x0;
	_ =	strace $0x9000004A  }
0x41: {  	s0 =	sadd.s32 @!p0 $0x100000, s1;
	[bflag:$0x2] =	sbarrier.arrive $0xFFFF  }
0x42: {  	[sflag:s0] =	ssyncadd.tile.s32 @!p0 $0x1;
	_ =	shalt  }
.Lfunc_end1:
_tile_overlayer_lowered:
.L_overlay_start_2:
0x43: {  	(tag) =	ssettag $0x2  }
0x44: {  	s0 =	rddreg [dreg:$0x0];
	s2 =	stileid.u32  }
0x45: {  	s1 =	rddreg [dreg:$0x1];
	p0 =	sne.s32 s2, $0x0  }
0x46: {  	s3 =	rddreg [dreg:$0x2];
	[bflag:$0x3] =	sbarrier.arrive $0xFFFF;
	s2 =	simm.s32 @!p0 $0x1C01  }
0x47: {  	[timem:s3], [sflag:s2] =	dma.local @!p0 [hbm:s0], s1  }
0x48: {  	s0 =	simm.s32 @!p0 $0x1  }
0x49: {  	_ =	swait.ge @!p0 [sflag:s0], s1  }
0x4a: {  	s1 =	ssub.s32 @!p0 $0x0, s1;
	[sflag:s0] =	ssyncset.done @!p0 $0x0  }
0x4b: {  	[sflag:s0] =	ssyncadd.s32 @!p0 s1  }
0x4c: {  	[bflag:$0x3] =	sbarrier.arrive $0xFFFF  }
0x4d: {  	_ =	shalt  }

</sc_bundles>
